<compile_context>
chip_gen: v7x
topology: tpu7x:2x2x1
jax: 0.10.2.dev20260603
libtpu: 0.0.44.dev20260713+nightly
codegen_flags: <defaults>
</compile_context>

<pallas_src>
import dataclasses
import functools

import jax
import jax.numpy as jnp
from jax import lax
from jax.experimental import pallas as pl
from jax.experimental.pallas import tpu as pltpu
from jax.experimental.pallas import tpu_sc as plsc

NL = 16
ROWS_PER_BLK = 8


def _sc_correct(shifts2d, q2d, r2d, mwords, rcpad, n_rows):
    B, KS = shifts2d.shape
    K = r2d.shape[1]
    S = KS // K
    W = KS // 4
    NPAIR = n_rows * n_rows
    NPAIR_PAD = ((NPAIR + 1) // 2) * 2 + 6
    D2LEN = NPAIR_PAD * 8
    GRID = B // ROWS_PER_BLK
    GROUPS = KS // (3 * NL)

    mesh = plsc.VectorSubcoreMesh(core_axis_name="c", subcore_axis_name="s")
    cp = pltpu.CompilerParams()
    if "needs_layout_passes" in pltpu.CompilerParams.__dataclass_fields__:
        cp = dataclasses.replace(cp, needs_layout_passes=False)

    @functools.partial(
        pl.kernel,
        mesh=mesh,
        compiler_params=cp,
        out_type=jax.ShapeDtypeStruct((B, KS), jnp.float32),
        scratch_types=[
            pltpu.VMEM((128,), jnp.float32),
            pltpu.VMEM((D2LEN,), jnp.float32),
        ],
    )
    def sc(shifts_hbm, q_hbm, r_hbm, m_hbm, rc_hbm, out_hbm, rc_v, d2_v):
        pltpu.sync_copy(rc_hbm, rc_v)

        lane = lax.iota(jnp.int32, NL)

        pb = lane >> 3
        jv = lane & 7
        jmask = jv < S

        @pl.loop(0, D2LEN // NL)
        def _build(c):
            pairv = jnp.minimum(2 * c + pb, NPAIR - 1)
            qiv = pairv // n_rows
            riv = pairv - qiv * n_rows
            aq = plsc.load_gather(rc_v, [qiv * S + jv])
            ar = plsc.load_gather(rc_v, [riv * S + jv])
            valid = (aq == aq) & (ar == ar) & jmask
            d2_v[pl.ds(c * NL, NL)] = jnp.where(valid, aq - ar, 0.0)

        PP = [(lane + 16 * t) // S for t in range(3)]
        SP = [(lane + 16 * t) % S for t in range(3)]
        BITMASK = 1 << ((lane & 3) << 3)
        WPAT = lane >> 2

        def body(sh_v, q_v, r_v, m_v, o_v):
            @pl.loop(0, ROWS_PER_BLK)
            def _row(row):
                rowv = jnp.full((NL,), row, dtype=jnp.int32)
                qv = plsc.load_gather(q_v, [rowv, jnp.zeros((NL,), jnp.int32)])
                qbase = jnp.clip(qv, 0, n_rows - 1) * (n_rows * 8)

                @pl.loop(0, GROUPS)
                def _grp(g):
                    for t in range(3):
                        f0 = g * 48 + t * 16
                        pidx = PP[t] + 8 * g
                        rv = plsc.load_gather(r_v, [rowv, pidx])
                        rv = jnp.clip(rv, 0, n_rows - 1)
                        gidx = (rv << 3) + (SP[t] + qbase)
                        dv = plsc.load_gather(d2_v, [gidx])
                        sv = sh_v[row, pl.ds(f0, NL)]
                        wv = plsc.load_gather(m_v, [rowv, WPAT + (f0 >> 2)])
                        mb = (wv & BITMASK) != 0
                        o_v[row, pl.ds(f0, NL)] = jnp.where(mb, sv + dv, sv)

        pltpu.emit_pipeline(
            body,
            grid=(GRID,),
            in_specs=[
                pl.BlockSpec((ROWS_PER_BLK, KS), lambda i: (i, 0)),
                pl.BlockSpec((ROWS_PER_BLK, 1), lambda i: (i, 0)),
                pl.BlockSpec((ROWS_PER_BLK, K), lambda i: (i, 0)),
                pl.BlockSpec((ROWS_PER_BLK, W), lambda i: (i, 0)),
            ],
            out_specs=[pl.BlockSpec((ROWS_PER_BLK, KS), lambda i: (i, 0))],
            core_axis_name=("c", "s"),
            dimension_semantics=(pltpu.PARALLEL,),
        )(shifts_hbm, q_hbm, r_hbm, m_hbm, out_hbm)

    return sc(shifts2d, q2d, r2d, mwords, rcpad)


def kernel(retrieved_shifts, query_residue_code, retrieved_residue_codes,
           retrieved_shift_masks, rc_table):
    B, K, S = retrieved_shifts.shape
    n_rows = rc_table.shape[0]
    KS = K * S

    shifts2d = retrieved_shifts.reshape(B, KS)
    q2d = query_residue_code.astype(jnp.int32).reshape(B, 1)
    r2d = retrieved_residue_codes.astype(jnp.int32)
    mwords = retrieved_shift_masks.reshape(B, KS).view(jnp.int32)
    rcpad = jnp.pad(rc_table.reshape(-1), (0, 128 - n_rows * S))

    out2d = _sc_correct(shifts2d, q2d, r2d, mwords, rcpad, n_rows)
    return out2d.reshape(B, K, S)

# --- scband reference (transcript-rebuilt; emitter-appended) ---
"""Pipeline reference for scband-random-coil-corrector-38293928411609 (READ-ONLY COPY).

The authoritative reference and input builder live on the scoring server;
editing this copy changes nothing except your own understanding.
"""

import jax, jax.numpy as jnp
import numpy as np

B, K, S, R = 16384, 200, 6, 20

def setup_inputs(seed: int = 0) -> dict:
    key = jax.random.key(seed)
    ks = jax.random.split(key, 5)
    retrieved_shifts = jax.random.normal(ks[0], (B, K, S), dtype=jnp.float32)
    query_residue_code = jax.random.randint(ks[1], (B,), 0, R + 1).astype(jnp.int64)
    retrieved_residue_codes = jax.random.randint(ks[2], (B, K), 0, R + 1).astype(jnp.int64)
    retrieved_shift_masks = jax.random.randint(ks[3], (B, K, S), 0, 2) == 1
    # random-coil table in z-score space; some entries are NaN (e.g. Gly CB),
    # plus one fully-NaN padding row at index n_residue_types
    rc = jax.random.normal(ks[4], (R, S), dtype=jnp.float32)
    rc = rc.at[7, 1].set(jnp.nan)
    rc = rc.at[3, 5].set(jnp.nan)
    rc_table = jnp.concatenate([rc, jnp.full((1, S), jnp.nan, dtype=jnp.float32)], axis=0)
    return {
        "retrieved_shifts": retrieved_shifts,
        "query_residue_code": query_residue_code,
        "retrieved_residue_codes": retrieved_residue_codes,
        "retrieved_shift_masks": retrieved_shift_masks,
        "rc_table": rc_table,
    }

def reference(retrieved_shifts, query_residue_code, retrieved_residue_codes, retrieved_shift_masks, rc_table):
    n_rows = rc_table.shape[0]
    query_idx = jnp.clip(query_residue_code, 0, n_rows - 1)
    retrieved_idx = jnp.clip(retrieved_residue_codes, 0, n_rows - 1)
    rc_query = jnp.take(rc_table, query_idx, axis=0)[:, None, :]      # [B,1,S]
    rc_retrieved = jnp.take(rc_table, retrieved_idx, axis=0)           # [B,K,S]
    corrected = rc_query + (retrieved_shifts - rc_retrieved)
    rc_valid = (~jnp.isnan(rc_query)) & (~jnp.isnan(rc_retrieved))
    corrected = jnp.where(rc_valid, corrected, retrieved_shifts)
    corrected = jnp.where(retrieved_shift_masks, corrected, retrieved_shifts)
    return corrected

if __name__ == "__main__":
    import jax
    _d = setup_inputs()
    print(jax.jit(kernel)(*tuple(_d.values())))

</pallas_src>

<mosaic_0001>
#map = affine_map<(d0, d1) -> (0, 0)>
#map1 = affine_map<(d0, d1) -> (0)>
module attributes {stable_mosaic.version = 14 : i64} {
  func.func @sc(%arg0: i32, %arg1: i32, %arg2: memref<16384x1200xf32, #tpu.memory_space<hbm>>, %arg3: memref<16384x1xi32, #tpu.memory_space<hbm>>, %arg4: memref<16384x200xi32, #tpu.memory_space<hbm>>, %arg5: memref<16384x300xi32, #tpu.memory_space<hbm>>, %arg6: memref<128xf32, #tpu.memory_space<hbm>>, %arg7: memref<16384x1200xf32, #tpu.memory_space<hbm>>, %arg8: memref<128xf32, #tpu.memory_space<vmem>>, %arg9: memref<3584xf32, #tpu.memory_space<vmem>>) attributes {dimension_semantics = [#tpu.dimension_semantics<core_parallel>, #tpu.dimension_semantics<subcore_parallel>], iteration_bounds = array<i64: 2, 16>, scalar_prefetch = 0 : i64, scratch_operands = 2 : i64, tpu.core_type = #tpu.core_type<sc_vector_subcore>, window_params = [{transform_indices = #map}, {transform_indices = #map}, {transform_indices = #map}, {transform_indices = #map}, {transform_indices = #map1}, {transform_indices = #map}]} {
    "tpu.region"() ({
      %run_scoped3A = tpu.sem_alloc : memref<!tpu.dma_semaphore, #tpu.memory_space<semaphore_mem>>
      tpu.enqueue_dma source(%arg6 : memref<128xf32, #tpu.memory_space<hbm>>) target(%arg8 : memref<128xf32, #tpu.memory_space<vmem>>) target_semaphore(%run_scoped3A : memref<!tpu.dma_semaphore, #tpu.memory_space<semaphore_mem>>)
      tpu.wait_dma2 semaphore(%run_scoped3A : memref<!tpu.dma_semaphore, #tpu.memory_space<semaphore_mem>>) src(%arg6 : memref<128xf32, #tpu.memory_space<hbm>>) dst(%arg8 : memref<128xf32, #tpu.memory_space<vmem>>)
      tpu.yield
    }) : () -> ()
    %iota3A = tpu.iota {dimensions = array<i32: 0>} : vector<16xi32>
    %shift_right_arithmetic3A = arith.constant 3 : i32
    %shift_right_arithmetic3A_0 = vector.broadcast %shift_right_arithmetic3A : i32 to vector<16xi32>
    %shift_right_arithmetic3A_1 = arith.shrsi %iota3A, %shift_right_arithmetic3A_0 : vector<16xi32>
    %and3A = arith.constant 7 : i32
    %and3A_2 = vector.broadcast %and3A : i32 to vector<16xi32>
    %and3A_3 = arith.andi %iota3A, %and3A_2 : vector<16xi32>
    %lt3A = arith.constant 6 : i32
    %lt3A_4 = vector.broadcast %lt3A : i32 to vector<16xi32>
    %lt3A_5 = arith.cmpi slt, %and3A_3, %lt3A_4 : vector<16xi32>
    %scan3A = arith.constant 0 : i32
    %scan3A_6 = arith.constant 224 : i32
    %scan3A_7 = arith.addi %scan3A, %scan3A_6 : i32
    %scan3A_8 = arith.constant 1 : i32
    scf.for %scan3A_197 = %scan3A to %scan3A_7 step %scan3A_8  : i32 {
      %mul3A_198 = arith.constant 1 : i32
      %mul3A_199 = arith.muli %scan3A_197, %mul3A_198 : i32
      %add3A_200 = arith.constant 0 : i32
      %add3A_201 = arith.addi %add3A_200, %mul3A_199 : i32
      %mul3A_202 = arith.constant 2 : i32
      %mul3A_203 = arith.muli %mul3A_202, %add3A_201 : i32
      %add3A_204 = vector.broadcast %mul3A_203 : i32 to vector<16xi32>
      %add3A_205 = arith.addi %add3A_204, %shift_right_arithmetic3A_1 : vector<16xi32>
      %min3A = arith.constant 440 : i32
      %min3A_206 = vector.broadcast %min3A : i32 to vector<16xi32>
      %min3A_207 = arith.minsi %add3A_205, %min3A_206 : vector<16xi32>
      %jit3A_208 = arith.constant 21 : i32
      %div3A_209 = vector.broadcast %jit3A_208 : i32 to vector<16xi32>
      %div3A_210 = arith.divsi %min3A_207, %div3A_209 : vector<16xi32>
      %sign3A_211 = arith.constant 0 : i32
      %sign3A_212 = vector.broadcast %sign3A_211 : i32 to vector<16xi32>
      %sign3A_213 = arith.cmpi sgt, %min3A_207, %sign3A_212 : vector<16xi32>
      %sign3A_214 = arith.extui %sign3A_213 : vector<16xi1> to vector<16xi32>
      %sign3A_215 = arith.constant 0 : i32
      %sign3A_216 = vector.broadcast %sign3A_215 : i32 to vector<16xi32>
      %sign3A_217 = arith.cmpi slt, %min3A_207, %sign3A_216 : vector<16xi32>
      %sign3A_218 = arith.extui %sign3A_217 : vector<16xi1> to vector<16xi32>
      %sign3A_219 = arith.subi %sign3A_214, %sign3A_218 : vector<16xi32>
      %sign3A_220 = arith.constant 0 : i32
      %sign3A_221 = arith.cmpi sgt, %jit3A_208, %sign3A_220 : i32
      %sign3A_222 = arith.extui %sign3A_221 : i1 to i32
      %sign3A_223 = arith.constant 0 : i32
      %sign3A_224 = arith.cmpi slt, %jit3A_208, %sign3A_223 : i32
      %sign3A_225 = arith.extui %sign3A_224 : i1 to i32
      %sign3A_226 = arith.subi %sign3A_222, %sign3A_225 : i32
      %ne3A_227 = vector.broadcast %sign3A_226 : i32 to vector<16xi32>
      %ne3A_228 = arith.cmpi ne, %sign3A_219, %ne3A_227 : vector<16xi32>
      %rem3A_229 = vector.broadcast %jit3A_208 : i32 to vector<16xi32>
      %rem3A_230 = arith.remsi %min3A_207, %rem3A_229 : vector<16xi32>
      %ne3A_231 = arith.constant 0 : i32
      %ne3A_232 = vector.broadcast %ne3A_231 : i32 to vector<16xi32>
      %ne3A_233 = arith.cmpi ne, %rem3A_230, %ne3A_232 : vector<16xi32>
      %and3A_234 = arith.andi %ne3A_228, %ne3A_233 : vector<16xi1>
      %sub3A_235 = arith.constant 1 : i32
      %sub3A_236 = vector.broadcast %sub3A_235 : i32 to vector<16xi32>
      %sub3A_237 = arith.subi %div3A_210, %sub3A_236 : vector<16xi32>
      %select_n3A_238 = arith.select %and3A_234, %sub3A_237, %div3A_210 : vector<16xi1>, vector<16xi32>
      %mul3A_239 = arith.constant 21 : i32
      %mul3A_240 = vector.broadcast %mul3A_239 : i32 to vector<16xi32>
      %mul3A_241 = arith.muli %select_n3A_238, %mul3A_240 : vector<16xi32>
      %sub3A_242 = arith.subi %min3A_207, %mul3A_241 : vector<16xi32>
      %mul3A_243 = arith.constant 6 : i32
      %mul3A_244 = vector.broadcast %mul3A_243 : i32 to vector<16xi32>
      %mul3A_245 = arith.muli %select_n3A_238, %mul3A_244 : vector<16xi32>
      %add3A_246 = arith.addi %mul3A_245, %and3A_3 : vector<16xi32>
      %gather3A = tpu.vector_load_idx %arg8[%add3A_246] : memref<128xf32, #tpu.memory_space<vmem>>[vector<16xi32>], vector<16xf32>,
      %mul3A_247 = arith.constant 6 : i32
      %mul3A_248 = vector.broadcast %mul3A_247 : i32 to vector<16xi32>
      %mul3A_249 = arith.muli %sub3A_242, %mul3A_248 : vector<16xi32>
      %add3A_250 = arith.addi %mul3A_249, %and3A_3 : vector<16xi32>
      %gather3A_251 = tpu.vector_load_idx %arg8[%add3A_250] : memref<128xf32, #tpu.memory_space<vmem>>[vector<16xi32>], vector<16xf32>,
      %eq3A_252 = arith.cmpf oeq, %gather3A, %gather3A : vector<16xf32>
      %eq3A_253 = arith.cmpf oeq, %gather3A_251, %gather3A_251 : vector<16xf32>
      %and3A_254 = arith.andi %eq3A_252, %eq3A_253 : vector<16xi1>
      %and3A_255 = arith.andi %and3A_254, %lt3A_5 : vector<16xi1>
      %sub3A_256 = arith.subf %gather3A, %gather3A_251 : vector<16xf32>
      %jit3A_257 = arith.constant 0.000000e+00 : f32
      %broadcast_in_dim3A = vector.broadcast %jit3A_257 : f32 to vector<16xf32>
      %select_n3A_258 = arith.select %and3A_255, %sub3A_256, %broadcast_in_dim3A : vector<16xi1>, vector<16xf32>
      %mul3A_259 = arith.constant 16 : i32
      %mul3A_260 = arith.muli %add3A_201, %mul3A_259 : i32
      %swap3A = arith.index_cast %mul3A_260 : i32 to index
      %swap3A_261 = tpu.vector_load %arg9[%swap3A] {strides = array<i32>} : memref<3584xf32, #tpu.memory_space<vmem>>, vector<16xf32>,
      tpu.vector_store %arg9[%swap3A], %select_n3A_258 {strides = array<i32>} : memref<3584xf32, #tpu.memory_space<vmem>>, vector<16xf32>,
    }
    %scan3A_9 = arith.constant 224 : i32
    %add3A = arith.constant 0 : i32
    %add3A_10 = vector.broadcast %add3A : i32 to vector<16xi32>
    %add3A_11 = arith.addi %iota3A, %add3A_10 : vector<16xi32>
    %jit3A = arith.constant 6 : i32
    %div3A = vector.broadcast %jit3A : i32 to vector<16xi32>
    %div3A_12 = arith.divsi %add3A_11, %div3A : vector<16xi32>
    %sign3A = arith.constant 0 : i32
    %sign3A_13 = vector.broadcast %sign3A : i32 to vector<16xi32>
    %sign3A_14 = arith.cmpi sgt, %add3A_11, %sign3A_13 : vector<16xi32>
    %sign3A_15 = arith.extui %sign3A_14 : vector<16xi1> to vector<16xi32>
    %sign3A_16 = arith.constant 0 : i32
    %sign3A_17 = vector.broadcast %sign3A_16 : i32 to vector<16xi32>
    %sign3A_18 = arith.cmpi slt, %add3A_11, %sign3A_17 : vector<16xi32>
    %sign3A_19 = arith.extui %sign3A_18 : vector<16xi1> to vector<16xi32>
    %sign3A_20 = arith.subi %sign3A_15, %sign3A_19 : vector<16xi32>
    %sign3A_21 = arith.constant 0 : i32
    %sign3A_22 = arith.cmpi sgt, %jit3A, %sign3A_21 : i32
    %sign3A_23 = arith.extui %sign3A_22 : i1 to i32
    %sign3A_24 = arith.constant 0 : i32
    %sign3A_25 = arith.cmpi slt, %jit3A, %sign3A_24 : i32
    %sign3A_26 = arith.extui %sign3A_25 : i1 to i32
    %sign3A_27 = arith.subi %sign3A_23, %sign3A_26 : i32
    %ne3A = vector.broadcast %sign3A_27 : i32 to vector<16xi32>
    %ne3A_28 = arith.cmpi ne, %sign3A_20, %ne3A : vector<16xi32>
    %rem3A = vector.broadcast %jit3A : i32 to vector<16xi32>
    %rem3A_29 = arith.remsi %add3A_11, %rem3A : vector<16xi32>
    %ne3A_30 = arith.constant 0 : i32
    %ne3A_31 = vector.broadcast %ne3A_30 : i32 to vector<16xi32>
    %ne3A_32 = arith.cmpi ne, %rem3A_29, %ne3A_31 : vector<16xi32>
    %and3A_33 = arith.andi %ne3A_28, %ne3A_32 : vector<16xi1>
    %sub3A = arith.constant 1 : i32
    %sub3A_34 = vector.broadcast %sub3A : i32 to vector<16xi32>
    %sub3A_35 = arith.subi %div3A_12, %sub3A_34 : vector<16xi32>
    %select_n3A = arith.select %and3A_33, %sub3A_35, %div3A_12 : vector<16xi1>, vector<16xi32>
    %add3A_36 = arith.constant 16 : i32
    %add3A_37 = vector.broadcast %add3A_36 : i32 to vector<16xi32>
    %add3A_38 = arith.addi %iota3A, %add3A_37 : vector<16xi32>
    %jit3A_39 = arith.constant 6 : i32
    %div3A_40 = vector.broadcast %jit3A_39 : i32 to vector<16xi32>
    %div3A_41 = arith.divsi %add3A_38, %div3A_40 : vector<16xi32>
    %sign3A_42 = arith.constant 0 : i32
    %sign3A_43 = vector.broadcast %sign3A_42 : i32 to vector<16xi32>
    %sign3A_44 = arith.cmpi sgt, %add3A_38, %sign3A_43 : vector<16xi32>
    %sign3A_45 = arith.extui %sign3A_44 : vector<16xi1> to vector<16xi32>
    %sign3A_46 = arith.constant 0 : i32
    %sign3A_47 = vector.broadcast %sign3A_46 : i32 to vector<16xi32>
    %sign3A_48 = arith.cmpi slt, %add3A_38, %sign3A_47 : vector<16xi32>
    %sign3A_49 = arith.extui %sign3A_48 : vector<16xi1> to vector<16xi32>
    %sign3A_50 = arith.subi %sign3A_45, %sign3A_49 : vector<16xi32>
    %sign3A_51 = arith.constant 0 : i32
    %sign3A_52 = arith.cmpi sgt, %jit3A_39, %sign3A_51 : i32
    %sign3A_53 = arith.extui %sign3A_52 : i1 to i32
    %sign3A_54 = arith.constant 0 : i32
    %sign3A_55 = arith.cmpi slt, %jit3A_39, %sign3A_54 : i32
    %sign3A_56 = arith.extui %sign3A_55 : i1 to i32
    %sign3A_57 = arith.subi %sign3A_53, %sign3A_56 : i32
    %ne3A_58 = vector.broadcast %sign3A_57 : i32 to vector<16xi32>
    %ne3A_59 = arith.cmpi ne, %sign3A_50, %ne3A_58 : vector<16xi32>
    %rem3A_60 = vector.broadcast %jit3A_39 : i32 to vector<16xi32>
    %rem3A_61 = arith.remsi %add3A_38, %rem3A_60 : vector<16xi32>
    %ne3A_62 = arith.constant 0 : i32
    %ne3A_63 = vector.broadcast %ne3A_62 : i32 to vector<16xi32>
    %ne3A_64 = arith.cmpi ne, %rem3A_61, %ne3A_63 : vector<16xi32>
    %and3A_65 = arith.andi %ne3A_59, %ne3A_64 : vector<16xi1>
    %sub3A_66 = arith.constant 1 : i32
    %sub3A_67 = vector.broadcast %sub3A_66 : i32 to vector<16xi32>
    %sub3A_68 = arith.subi %div3A_41, %sub3A_67 : vector<16xi32>
    %select_n3A_69 = arith.select %and3A_65, %sub3A_68, %div3A_41 : vector<16xi1>, vector<16xi32>
    %add3A_70 = arith.constant 32 : i32
    %add3A_71 = vector.broadcast %add3A_70 : i32 to vector<16xi32>
    %add3A_72 = arith.addi %iota3A, %add3A_71 : vector<16xi32>
    %jit3A_73 = arith.constant 6 : i32
    %div3A_74 = vector.broadcast %jit3A_73 : i32 to vector<16xi32>
    %div3A_75 = arith.divsi %add3A_72, %div3A_74 : vector<16xi32>
    %sign3A_76 = arith.constant 0 : i32
    %sign3A_77 = vector.broadcast %sign3A_76 : i32 to vector<16xi32>
    %sign3A_78 = arith.cmpi sgt, %add3A_72, %sign3A_77 : vector<16xi32>
    %sign3A_79 = arith.extui %sign3A_78 : vector<16xi1> to vector<16xi32>
    %sign3A_80 = arith.constant 0 : i32
    %sign3A_81 = vector.broadcast %sign3A_80 : i32 to vector<16xi32>
    %sign3A_82 = arith.cmpi slt, %add3A_72, %sign3A_81 : vector<16xi32>
    %sign3A_83 = arith.extui %sign3A_82 : vector<16xi1> to vector<16xi32>
    %sign3A_84 = arith.subi %sign3A_79, %sign3A_83 : vector<16xi32>
    %sign3A_85 = arith.constant 0 : i32
    %sign3A_86 = arith.cmpi sgt, %jit3A_73, %sign3A_85 : i32
    %sign3A_87 = arith.extui %sign3A_86 : i1 to i32
    %sign3A_88 = arith.constant 0 : i32
    %sign3A_89 = arith.cmpi slt, %jit3A_73, %sign3A_88 : i32
    %sign3A_90 = arith.extui %sign3A_89 : i1 to i32
    %sign3A_91 = arith.subi %sign3A_87, %sign3A_90 : i32
    %ne3A_92 = vector.broadcast %sign3A_91 : i32 to vector<16xi32>
    %ne3A_93 = arith.cmpi ne, %sign3A_84, %ne3A_92 : vector<16xi32>
    %rem3A_94 = vector.broadcast %jit3A_73 : i32 to vector<16xi32>
    %rem3A_95 = arith.remsi %add3A_72, %rem3A_94 : vector<16xi32>
    %ne3A_96 = arith.constant 0 : i32
    %ne3A_97 = vector.broadcast %ne3A_96 : i32 to vector<16xi32>
    %ne3A_98 = arith.cmpi ne, %rem3A_95, %ne3A_97 : vector<16xi32>
    %and3A_99 = arith.andi %ne3A_93, %ne3A_98 : vector<16xi1>
    %sub3A_100 = arith.constant 1 : i32
    %sub3A_101 = vector.broadcast %sub3A_100 : i32 to vector<16xi32>
    %sub3A_102 = arith.subi %div3A_75, %sub3A_101 : vector<16xi32>
    %select_n3A_103 = arith.select %and3A_99, %sub3A_102, %div3A_75 : vector<16xi1>, vector<16xi32>
    %add3A_104 = arith.constant 0 : i32
    %add3A_105 = vector.broadcast %add3A_104 : i32 to vector<16xi32>
    %add3A_106 = arith.addi %iota3A, %add3A_105 : vector<16xi32>
    %jit3A_107 = arith.constant 6 : i32
    %eq3A = arith.constant 0 : i32
    %eq3A_108 = arith.cmpi eq, %jit3A_107, %eq3A : i32
    %jit3A_109 = arith.constant 1 : i32
    %select_n3A_110 = arith.select %eq3A_108, %jit3A_109, %jit3A_107 : i32
    %rem3A_111 = vector.broadcast %select_n3A_110 : i32 to vector<16xi32>
    %rem3A_112 = arith.remsi %add3A_106, %rem3A_111 : vector<16xi32>
    %ne3A_113 = arith.constant 0 : i32
    %ne3A_114 = vector.broadcast %ne3A_113 : i32 to vector<16xi32>
    %ne3A_115 = arith.cmpi ne, %rem3A_112, %ne3A_114 : vector<16xi32>
    %lt3A_116 = arith.constant 0 : i32
    %lt3A_117 = vector.broadcast %lt3A_116 : i32 to vector<16xi32>
    %lt3A_118 = arith.cmpi slt, %rem3A_112, %lt3A_117 : vector<16xi32>
    %lt3A_119 = arith.constant 0 : i32
    %lt3A_120 = arith.cmpi slt, %select_n3A_110, %lt3A_119 : i32
    %ne3A_121 = vector.broadcast %lt3A_120 : i1 to vector<16xi1>
    %ne3A_122 = vector.broadcast %ne3A_121 : vector<16xi1> to vector<16xi1>
    %ne3A_123 = arith.xori %lt3A_118, %ne3A_122 : vector<16xi1>
    %and3A_124 = arith.andi %ne3A_123, %ne3A_115 : vector<16xi1>
    %add3A_125 = vector.broadcast %select_n3A_110 : i32 to vector<16xi32>
    %add3A_126 = arith.addi %rem3A_112, %add3A_125 : vector<16xi32>
    %select_n3A_127 = arith.select %and3A_124, %add3A_126, %rem3A_112 : vector<16xi1>, vector<16xi32>
    %add3A_128 = arith.constant 16 : i32
    %add3A_129 = vector.broadcast %add3A_128 : i32 to vector<16xi32>
    %add3A_130 = arith.addi %iota3A, %add3A_129 : vector<16xi32>
    %jit3A_131 = arith.constant 6 : i32
    %eq3A_132 = arith.constant 0 : i32
    %eq3A_133 = arith.cmpi eq, %jit3A_131, %eq3A_132 : i32
    %jit3A_134 = arith.constant 1 : i32
    %select_n3A_135 = arith.select %eq3A_133, %jit3A_134, %jit3A_131 : i32
    %rem3A_136 = vector.broadcast %select_n3A_135 : i32 to vector<16xi32>
    %rem3A_137 = arith.remsi %add3A_130, %rem3A_136 : vector<16xi32>
    %ne3A_138 = arith.constant 0 : i32
    %ne3A_139 = vector.broadcast %ne3A_138 : i32 to vector<16xi32>
    %ne3A_140 = arith.cmpi ne, %rem3A_137, %ne3A_139 : vector<16xi32>
    %lt3A_141 = arith.constant 0 : i32
    %lt3A_142 = vector.broadcast %lt3A_141 : i32 to vector<16xi32>
    %lt3A_143 = arith.cmpi slt, %rem3A_137, %lt3A_142 : vector<16xi32>
    %lt3A_144 = arith.constant 0 : i32
    %lt3A_145 = arith.cmpi slt, %select_n3A_135, %lt3A_144 : i32
    %ne3A_146 = vector.broadcast %lt3A_145 : i1 to vector<16xi1>
    %ne3A_147 = vector.broadcast %ne3A_146 : vector<16xi1> to vector<16xi1>
    %ne3A_148 = arith.xori %lt3A_143, %ne3A_147 : vector<16xi1>
    %and3A_149 = arith.andi %ne3A_148, %ne3A_140 : vector<16xi1>
    %add3A_150 = vector.broadcast %select_n3A_135 : i32 to vector<16xi32>
    %add3A_151 = arith.addi %rem3A_137, %add3A_150 : vector<16xi32>
    %select_n3A_152 = arith.select %and3A_149, %add3A_151, %rem3A_137 : vector<16xi1>, vector<16xi32>
    %add3A_153 = arith.constant 32 : i32
    %add3A_154 = vector.broadcast %add3A_153 : i32 to vector<16xi32>
    %add3A_155 = arith.addi %iota3A, %add3A_154 : vector<16xi32>
    %jit3A_156 = arith.constant 6 : i32
    %eq3A_157 = arith.constant 0 : i32
    %eq3A_158 = arith.cmpi eq, %jit3A_156, %eq3A_157 : i32
    %jit3A_159 = arith.constant 1 : i32
    %select_n3A_160 = arith.select %eq3A_158, %jit3A_159, %jit3A_156 : i32
    %rem3A_161 = vector.broadcast %select_n3A_160 : i32 to vector<16xi32>
    %rem3A_162 = arith.remsi %add3A_155, %rem3A_161 : vector<16xi32>
    %ne3A_163 = arith.constant 0 : i32
    %ne3A_164 = vector.broadcast %ne3A_163 : i32 to vector<16xi32>
    %ne3A_165 = arith.cmpi ne, %rem3A_162, %ne3A_164 : vector<16xi32>
    %lt3A_166 = arith.constant 0 : i32
    %lt3A_167 = vector.broadcast %lt3A_166 : i32 to vector<16xi32>
    %lt3A_168 = arith.cmpi slt, %rem3A_162, %lt3A_167 : vector<16xi32>
    %lt3A_169 = arith.constant 0 : i32
    %lt3A_170 = arith.cmpi slt, %select_n3A_160, %lt3A_169 : i32
    %ne3A_171 = vector.broadcast %lt3A_170 : i1 to vector<16xi1>
    %ne3A_172 = vector.broadcast %ne3A_171 : vector<16xi1> to vector<16xi1>
    %ne3A_173 = arith.xori %lt3A_168, %ne3A_172 : vector<16xi1>
    %and3A_174 = arith.andi %ne3A_173, %ne3A_165 : vector<16xi1>
    %add3A_175 = vector.broadcast %select_n3A_160 : i32 to vector<16xi32>
    %add3A_176 = arith.addi %rem3A_162, %add3A_175 : vector<16xi32>
    %select_n3A_177 = arith.select %and3A_174, %add3A_176, %rem3A_162 : vector<16xi1>, vector<16xi32>
    %and3A_178 = arith.constant 3 : i32
    %and3A_179 = vector.broadcast %and3A_178 : i32 to vector<16xi32>
    %and3A_180 = arith.andi %iota3A, %and3A_179 : vector<16xi32>
    %shift_left3A = arith.constant 3 : i32
    %shift_left3A_181 = vector.broadcast %shift_left3A : i32 to vector<16xi32>
    %shift_left3A_182 = arith.shli %and3A_180, %shift_left3A_181 : vector<16xi32>
    %shift_left3A_183 = arith.constant 1 : i32
    %shift_left3A_184 = vector.broadcast %shift_left3A_183 : i32 to vector<16xi32>
    %shift_left3A_185 = arith.shli %shift_left3A_184, %shift_left3A_182 : vector<16xi32>
    %shift_right_arithmetic3A_186 = arith.constant 2 : i32
    %shift_right_arithmetic3A_187 = vector.broadcast %shift_right_arithmetic3A_186 : i32 to vector<16xi32>
    %shift_right_arithmetic3A_188 = arith.shrsi %iota3A, %shift_right_arithmetic3A_187 : vector<16xi32>
    %mul3A = arith.constant 1 : i32
    %mul3A_189 = arith.muli %arg1, %mul3A : i32
    %add3A_190 = arith.constant 0 : i32
    %add3A_191 = arith.addi %add3A_190, %mul3A_189 : i32
    %mul3A_192 = arith.constant 16 : i32
    %mul3A_193 = arith.muli %arg0, %mul3A_192 : i32
    %add3A_194 = arith.addi %add3A_191, %mul3A_193 : i32
    %mul3A_195 = arith.constant 64 : i32
    %mul3A_196 = arith.muli %add3A_194, %mul3A_195 : i32
    "tpu.region"() ({
      %run_scoped3A = memref.alloca() : memref<2x8x1200xf32, #tpu.memory_space<vmem>>
      %run_scoped3A_197 = tpu.sem_alloc : memref<2x!tpu.dma_semaphore, #tpu.memory_space<semaphore_mem>>
      %run_scoped3A_198 = memref.alloca() : memref<2x8x1xi32, #tpu.memory_space<vmem>>
      %run_scoped3A_199 = tpu.sem_alloc : memref<2x!tpu.dma_semaphore, #tpu.memory_space<semaphore_mem>>
      %run_scoped3A_200 = memref.alloca() : memref<2x8x200xi32, #tpu.memory_space<vmem>>
      %run_scoped3A_201 = tpu.sem_alloc : memref<2x!tpu.dma_semaphore, #tpu.memory_space<semaphore_mem>>
      %run_scoped3A_202 = memref.alloca() : memref<2x8x300xi32, #tpu.memory_space<vmem>>
      %run_scoped3A_203 = tpu.sem_alloc : memref<2x!tpu.dma_semaphore, #tpu.memory_space<semaphore_mem>>
      %run_scoped3A_204 = memref.alloca() : memref<2x8x1200xf32, #tpu.memory_space<vmem>>
      %run_scoped3A_205 = tpu.sem_alloc : memref<2x!tpu.dma_semaphore, #tpu.memory_space<semaphore_mem>>
      %add3A_206 = arith.constant 0 : i32
      %add3A_207 = arith.addi %add3A_206, %mul3A_196 : i32
      %select_n3A_208 = arith.constant true
      %select_n3A_209 = arith.constant 0 : i32
      %select_n3A_210 = arith.constant -1 : i32
      %select_n3A_211 = arith.select %select_n3A_208, %select_n3A_210, %select_n3A_209 : i32
      %eq3A_212 = arith.constant -1 : i32
      %eq3A_213 = arith.cmpi eq, %select_n3A_211, %eq3A_212 : i32
      %select_n3A_214 = arith.constant 63 : i32
      %select_n3A_215 = arith.select %eq3A_213, %select_n3A_214, %select_n3A_211 : i32
      %add3A_216 = arith.addi %select_n3A_215, %mul3A_196 : i32
      %select_n3A_217 = arith.constant true
      %select_n3A_218 = arith.constant 0 : i32
      %select_n3A_219 = arith.constant 1 : i32
      %select_n3A_220 = arith.select %select_n3A_217, %select_n3A_219, %select_n3A_218 : i32
      %eq3A_221 = arith.constant 64 : i32
      %eq3A_222 = arith.cmpi eq, %select_n3A_220, %eq3A_221 : i32
      %select_n3A_223 = arith.constant 0 : i32
      %select_n3A_224 = arith.select %eq3A_222, %select_n3A_223, %select_n3A_220 : i32
      %add3A_225 = arith.addi %select_n3A_224, %mul3A_196 : i32
      %add3A_226 = arith.constant 1 : i32
      %add3A_227 = arith.addi %select_n3A_224, %add3A_226 : i32
      %select_n3A_228 = arith.constant true
      %select_n3A_229 = arith.select %select_n3A_228, %add3A_227, %select_n3A_224 : i32
      %eq3A_230 = arith.constant 64 : i32
      %eq3A_231 = arith.cmpi eq, %select_n3A_229, %eq3A_230 : i32
      %select_n3A_232 = arith.constant 0 : i32
      %select_n3A_233 = arith.select %eq3A_231, %select_n3A_232, %select_n3A_229 : i32
      %add3A_234 = arith.addi %select_n3A_233, %mul3A_196 : i32
      "tpu.trace_start"() <{level = 10 : i32, message = "ep_initialize_0"}> : () -> ()
      %rem3A_235 = arith.constant 0 : i32
      %rem3A_236 = arith.constant 2 : i32
      %rem3A_237 = arith.remui %rem3A_235, %rem3A_236 : i32
      %mul3A_238 = arith.constant 8 : i32
      %mul3A_239 = arith.muli %mul3A_238, %add3A_207 : i32
      %dma_start3A = arith.constant 0 : i32
      %dma_start3A_240 = arith.constant 0 : i32
      %dma_start3A_241 = tpu.memref_slice %run_scoped3A[%rem3A_237, %dma_start3A, %dma_start3A_240] : memref<2x8x1200xf32, #tpu.memory_space<vmem>> -> memref<1x8x1200xf32, #tpu.memory_space<vmem>>
      %dma_start3A_242 = tpu.memref_squeeze %dma_start3A_241 : memref<1x8x1200xf32, #tpu.memory_space<vmem>> -> memref<8x1200xf32, #tpu.memory_space<vmem>>
      %dma_start3A_243 = arith.constant 0 : i32
      %dma_start3A_244 = tpu.memref_slice %arg2[%mul3A_239, %dma_start3A_243] : memref<16384x1200xf32, #tpu.memory_space<hbm>> -> memref<8x1200xf32, #tpu.memory_space<hbm>>
      %dma_start3A_245 = tpu.memref_slice %run_scoped3A_197[%rem3A_237] : memref<2x!tpu.dma_semaphore, #tpu.memory_space<semaphore_mem>> -> memref<1x!tpu.dma_semaphore, #tpu.memory_space<semaphore_mem>>
      %dma_start3A_246 = tpu.memref_squeeze %dma_start3A_245 : memref<1x!tpu.dma_semaphore, #tpu.memory_space<semaphore_mem>> -> memref<!tpu.dma_semaphore, #tpu.memory_space<semaphore_mem>>
      %dma_start3A_247 = arith.constant 0 : i32
      %dma_start3A_248 = arith.constant 0 : i32
      %dma_start3A_249 = tpu.memref_slice %run_scoped3A[%rem3A_237, %dma_start3A_247, %dma_start3A_248] : memref<2x8x1200xf32, #tpu.memory_space<vmem>> -> memref<1x8x1200xf32, #tpu.memory_space<vmem>>
      %dma_start3A_250 = tpu.memref_squeeze %dma_start3A_249 : memref<1x8x1200xf32, #tpu.memory_space<vmem>> -> memref<8x1200xf32, #tpu.memory_space<vmem>>
      %dma_start3A_251 = arith.constant 0 : i32
      %dma_start3A_252 = tpu.memref_slice %arg2[%mul3A_239, %dma_start3A_251] : memref<16384x1200xf32, #tpu.memory_space<hbm>> -> memref<8x1200xf32, #tpu.memory_space<hbm>>
      tpu.enqueue_dma source(%dma_start3A_252 : memref<8x1200xf32, #tpu.memory_space<hbm>>) target(%dma_start3A_250 : memref<8x1200xf32, #tpu.memory_space<vmem>>) target_semaphore(%dma_start3A_246 : memref<!tpu.dma_semaphore, #tpu.memory_space<semaphore_mem>>)
      %add3A_253 = arith.constant 0 : i32
      %add3A_254 = arith.constant 1 : i32
      %add3A_255 = arith.addi %add3A_253, %add3A_254 : i32
      %select_n3A_256 = arith.constant true
      %select_n3A_257 = arith.constant 0 : i32
      %select_n3A_258 = arith.select %select_n3A_256, %add3A_255, %select_n3A_257 : i32
      %rem3A_259 = arith.constant 0 : i32
      %rem3A_260 = arith.constant 2 : i32
      %rem3A_261 = arith.remui %rem3A_259, %rem3A_260 : i32
      %mul3A_262 = arith.constant 8 : i32
      %mul3A_263 = arith.muli %mul3A_262, %add3A_207 : i32
      %dma_start3A_264 = arith.constant 0 : i32
      %dma_start3A_265 = arith.constant 0 : i32
      %dma_start3A_266 = tpu.memref_slice %run_scoped3A_198[%rem3A_261, %dma_start3A_264, %dma_start3A_265] : memref<2x8x1xi32, #tpu.memory_space<vmem>> -> memref<1x8x1xi32, #tpu.memory_space<vmem>>
      %dma_start3A_267 = tpu.memref_squeeze %dma_start3A_266 : memref<1x8x1xi32, #tpu.memory_space<vmem>> -> memref<8x1xi32, #tpu.memory_space<vmem>>
      %dma_start3A_268 = arith.constant 0 : i32
      %dma_start3A_269 = tpu.memref_slice %arg3[%mul3A_263, %dma_start3A_268] : memref<16384x1xi32, #tpu.memory_space<hbm>> -> memref<8x1xi32, #tpu.memory_space<hbm>>
      %dma_start3A_270 = tpu.memref_slice %run_scoped3A_199[%rem3A_261] : memref<2x!tpu.dma_semaphore, #tpu.memory_space<semaphore_mem>> -> memref<1x!tpu.dma_semaphore, #tpu.memory_space<semaphore_mem>>
      %dma_start3A_271 = tpu.memref_squeeze %dma_start3A_270 : memref<1x!tpu.dma_semaphore, #tpu.memory_space<semaphore_mem>> -> memref<!tpu.dma_semaphore, #tpu.memory_space<semaphore_mem>>
      %dma_start3A_272 = arith.constant 0 : i32
      %dma_start3A_273 = arith.constant 0 : i32
      %dma_start3A_274 = tpu.memref_slice %run_scoped3A_198[%rem3A_261, %dma_start3A_272, %dma_start3A_273] : memref<2x8x1xi32, #tpu.memory_space<vmem>> -> memref<1x8x1xi32, #tpu.memory_space<vmem>>
      %dma_start3A_275 = tpu.memref_squeeze %dma_start3A_274 : memref<1x8x1xi32, #tpu.memory_space<vmem>> -> memref<8x1xi32, #tpu.memory_space<vmem>>
      %dma_start3A_276 = arith.constant 0 : i32
      %dma_start3A_277 = tpu.memref_slice %arg3[%mul3A_263, %dma_start3A_276] : memref<16384x1xi32, #tpu.memory_space<hbm>> -> memref<8x1xi32, #tpu.memory_space<hbm>>
      tpu.enqueue_dma source(%dma_start3A_277 : memref<8x1xi32, #tpu.memory_space<hbm>>) target(%dma_start3A_275 : memref<8x1xi32, #tpu.memory_space<vmem>>) target_semaphore(%dma_start3A_271 : memref<!tpu.dma_semaphore, #tpu.memory_space<semaphore_mem>>)
      %add3A_278 = arith.constant 0 : i32
      %add3A_279 = arith.constant 1 : i32
      %add3A_280 = arith.addi %add3A_278, %add3A_279 : i32
      %select_n3A_281 = arith.constant true
      %select_n3A_282 = arith.constant 0 : i32
      %select_n3A_283 = arith.select %select_n3A_281, %add3A_280, %select_n3A_282 : i32
      %rem3A_284 = arith.constant 0 : i32
      %rem3A_285 = arith.constant 2 : i32
      %rem3A_286 = arith.remui %rem3A_284, %rem3A_285 : i32
      %mul3A_287 = arith.constant 8 : i32
      %mul3A_288 = arith.muli %mul3A_287, %add3A_207 : i32
      %dma_start3A_289 = arith.constant 0 : i32
      %dma_start3A_290 = arith.constant 0 : i32
      %dma_start3A_291 = tpu.memref_slice %run_scoped3A_200[%rem3A_286, %dma_start3A_289, %dma_start3A_290] : memref<2x8x200xi32, #tpu.memory_space<vmem>> -> memref<1x8x200xi32, #tpu.memory_space<vmem>>
      %dma_start3A_292 = tpu.memref_squeeze %dma_start3A_291 : memref<1x8x200xi32, #tpu.memory_space<vmem>> -> memref<8x200xi32, #tpu.memory_space<vmem>>
      %dma_start3A_293 = arith.constant 0 : i32
      %dma_start3A_294 = tpu.memref_slice %arg4[%mul3A_288, %dma_start3A_293] : memref<16384x200xi32, #tpu.memory_space<hbm>> -> memref<8x200xi32, #tpu.memory_space<hbm>>
      %dma_start3A_295 = tpu.memref_slice %run_scoped3A_201[%rem3A_286] : memref<2x!tpu.dma_semaphore, #tpu.memory_space<semaphore_mem>> -> memref<1x!tpu.dma_semaphore, #tpu.memory_space<semaphore_mem>>
      %dma_start3A_296 = tpu.memref_squeeze %dma_start3A_295 : memref<1x!tpu.dma_semaphore, #tpu.memory_space<semaphore_mem>> -> memref<!tpu.dma_semaphore, #tpu.memory_space<semaphore_mem>>
      %dma_start3A_297 = arith.constant 0 : i32
      %dma_start3A_298 = arith.constant 0 : i32
      %dma_start3A_299 = tpu.memref_slice %run_scoped3A_200[%rem3A_286, %dma_start3A_297, %dma_start3A_298] : memref<2x8x200xi32, #tpu.memory_space<vmem>> -> memref<1x8x200xi32, #tpu.memory_space<vmem>>
      %dma_start3A_300 = tpu.memref_squeeze %dma_start3A_299 : memref<1x8x200xi32, #tpu.memory_space<vmem>> -> memref<8x200xi32, #tpu.memory_space<vmem>>
      %dma_start3A_301 = arith.constant 0 : i32
      %dma_start3A_302 = tpu.memref_slice %arg4[%mul3A_288, %dma_start3A_301] : memref<16384x200xi32, #tpu.memory_space<hbm>> -> memref<8x200xi32, #tpu.memory_space<hbm>>
      tpu.enqueue_dma source(%dma_start3A_302 : memref<8x200xi32, #tpu.memory_space<hbm>>) target(%dma_start3A_300 : memref<8x200xi32, #tpu.memory_space<vmem>>) target_semaphore(%dma_start3A_296 : memref<!tpu.dma_semaphore, #tpu.memory_space<semaphore_mem>>)
      %add3A_303 = arith.constant 0 : i32
      %add3A_304 = arith.constant 1 : i32
      %add3A_305 = arith.addi %add3A_303, %add3A_304 : i32
      %select_n3A_306 = arith.constant true
      %select_n3A_307 = arith.constant 0 : i32
      %select_n3A_308 = arith.select %select_n3A_306, %add3A_305, %select_n3A_307 : i32
      %rem3A_309 = arith.constant 0 : i32
      %rem3A_310 = arith.constant 2 : i32
      %rem3A_311 = arith.remui %rem3A_309, %rem3A_310 : i32
      %mul3A_312 = arith.constant 8 : i32
      %mul3A_313 = arith.muli %mul3A_312, %add3A_207 : i32
      %dma_start3A_314 = arith.constant 0 : i32
      %dma_start3A_315 = arith.constant 0 : i32
      %dma_start3A_316 = tpu.memref_slice %run_scoped3A_202[%rem3A_311, %dma_start3A_314, %dma_start3A_315] : memref<2x8x300xi32, #tpu.memory_space<vmem>> -> memref<1x8x300xi32, #tpu.memory_space<vmem>>
      %dma_start3A_317 = tpu.memref_squeeze %dma_start3A_316 : memref<1x8x300xi32, #tpu.memory_space<vmem>> -> memref<8x300xi32, #tpu.memory_space<vmem>>
      %dma_start3A_318 = arith.constant 0 : i32
      %dma_start3A_319 = tpu.memref_slice %arg5[%mul3A_313, %dma_start3A_318] : memref<16384x300xi32, #tpu.memory_space<hbm>> -> memref<8x300xi32, #tpu.memory_space<hbm>>
      %dma_start3A_320 = tpu.memref_slice %run_scoped3A_203[%rem3A_311] : memref<2x!tpu.dma_semaphore, #tpu.memory_space<semaphore_mem>> -> memref<1x!tpu.dma_semaphore, #tpu.memory_space<semaphore_mem>>
      %dma_start3A_321 = tpu.memref_squeeze %dma_start3A_320 : memref<1x!tpu.dma_semaphore, #tpu.memory_space<semaphore_mem>> -> memref<!tpu.dma_semaphore, #tpu.memory_space<semaphore_mem>>
      %dma_start3A_322 = arith.constant 0 : i32
      %dma_start3A_323 = arith.constant 0 : i32
      %dma_start3A_324 = tpu.memref_slice %run_scoped3A_202[%rem3A_311, %dma_start3A_322, %dma_start3A_323] : memref<2x8x300xi32, #tpu.memory_space<vmem>> -> memref<1x8x300xi32, #tpu.memory_space<vmem>>
      %dma_start3A_325 = tpu.memref_squeeze %dma_start3A_324 : memref<1x8x300xi32, #tpu.memory_space<vmem>> -> memref<8x300xi32, #tpu.memory_space<vmem>>
      %dma_start3A_326 = arith.constant 0 : i32
      %dma_start3A_327 = tpu.memref_slice %arg5[%mul3A_313, %dma_start3A_326] : memref<16384x300xi32, #tpu.memory_space<hbm>> -> memref<8x300xi32, #tpu.memory_space<hbm>>
      tpu.enqueue_dma source(%dma_start3A_327 : memref<8x300xi32, #tpu.memory_space<hbm>>) target(%dma_start3A_325 : memref<8x300xi32, #tpu.memory_space<vmem>>) target_semaphore(%dma_start3A_321 : memref<!tpu.dma_semaphore, #tpu.memory_space<semaphore_mem>>)
      %add3A_328 = arith.constant 0 : i32
      %add3A_329 = arith.constant 1 : i32
      %add3A_330 = arith.addi %add3A_328, %add3A_329 : i32
      %select_n3A_331 = arith.constant true
      %select_n3A_332 = arith.constant 0 : i32
      %select_n3A_333 = arith.select %select_n3A_331, %add3A_330, %select_n3A_332 : i32
      "tpu.trace_stop"() : () -> ()
      %scan3A_334 = arith.constant 0 : i32
      %scan3A_335 = arith.constant 0 : i32
      %scan3A_336 = arith.constant 0 : i32
      %scan3A_337 = arith.constant 0 : i32
      %scan3A_338 = arith.constant 0 : i32
      %scan3A_339 = arith.constant 0 : i32
      %scan3A_340 = arith.constant 0 : i32
      %scan3A_341 = arith.constant 0 : i32
      %scan3A_342 = arith.constant 64 : i32
      %scan3A_343 = arith.addi %scan3A_341, %scan3A_342 : i32
      %scan3A_344 = arith.constant 1 : i32
      %scan3A_345:11 = scf.for %scan3A_400 = %scan3A_341 to %scan3A_343 step %scan3A_344 iter_args(%scan3A_401 = %select_n3A_258, %scan3A_402 = %scan3A_334, %scan3A_403 = %select_n3A_283, %scan3A_404 = %scan3A_335, %scan3A_405 = %select_n3A_308, %scan3A_406 = %scan3A_336, %scan3A_407 = %select_n3A_333, %scan3A_408 = %scan3A_337, %scan3A_409 = %scan3A_338, %scan3A_410 = %scan3A_339, %scan3A_411 = %scan3A_340) -> (i32, i32, i32, i32, i32, i32, i32, i32, i32, i32, i32)  : i32 {
        %eq3A_412 = arith.constant 0 : i32
        %eq3A_413 = arith.cmpi eq, %scan3A_400, %eq3A_412 : i32
        %eq3A_414 = arith.constant 63 : i32
        %eq3A_415 = arith.cmpi eq, %scan3A_400, %eq3A_414 : i32
        %add3A_416 = arith.addi %scan3A_411, %mul3A_196 : i32
        %sub3A_417 = arith.constant 1 : i32
        %sub3A_418 = arith.subi %scan3A_411, %sub3A_417 : i32
        %select_n3A_419 = arith.constant true
        %select_n3A_420 = arith.select %select_n3A_419, %sub3A_418, %scan3A_411 : i32
        %eq3A_421 = arith.constant -1 : i32
        %eq3A_422 = arith.cmpi eq, %select_n3A_420, %eq3A_421 : i32
        %select_n3A_423 = arith.constant 63 : i32
        %select_n3A_424 = arith.select %eq3A_422, %select_n3A_423, %select_n3A_420 : i32
        %add3A_425 = arith.addi %select_n3A_424, %mul3A_196 : i32
        %add3A_426 = arith.constant 1 : i32
        %add3A_427 = arith.addi %scan3A_411, %add3A_426 : i32
        %select_n3A_428 = arith.constant true
        %select_n3A_429 = arith.select %select_n3A_428, %add3A_427, %scan3A_411 : i32
        %eq3A_430 = arith.constant 64 : i32
        %eq3A_431 = arith.cmpi eq, %select_n3A_429, %eq3A_430 : i32
        %select_n3A_432 = arith.constant 0 : i32
        %select_n3A_433 = arith.select %eq3A_431, %select_n3A_432, %select_n3A_429 : i32
        %add3A_434 = arith.addi %select_n3A_433, %mul3A_196 : i32
        %add3A_435 = arith.constant 1 : i32
        %add3A_436 = arith.addi %select_n3A_433, %add3A_435 : i32
        %select_n3A_437 = arith.constant true
        %select_n3A_438 = arith.select %select_n3A_437, %add3A_436, %select_n3A_433 : i32
        %eq3A_439 = arith.constant 64 : i32
        %eq3A_440 = arith.cmpi eq, %select_n3A_438, %eq3A_439 : i32
        %select_n3A_441 = arith.constant 0 : i32
        %select_n3A_442 = arith.select %eq3A_440, %select_n3A_441, %select_n3A_438 : i32
        %add3A_443 = arith.addi %select_n3A_442, %mul3A_196 : i32
        %ne3A_444 = arith.cmpi ne, %add3A_416, %add3A_434 : i32
        %or3A = arith.constant false
        %or3A_445 = arith.ori %or3A, %ne3A_444 : i1
        %or3A_446 = arith.constant false
        %or3A_447 = arith.ori %or3A_445, %or3A_446 : i1
        %ge3A = arith.constant 63 : i32
        %ge3A_448 = arith.cmpi sge, %scan3A_400, %ge3A : i32
        %not3A = arith.constant true
        %not3A_449 = arith.xori %ge3A_448, %not3A : i1
        %and3A_450 = arith.andi %or3A_447, %not3A_449 : i1
        %convert_element_type3A = arith.extui %and3A_450 : i1 to i32
        %cond3A = arith.constant 0 : i32
        %cond3A_451 = arith.cmpi ne, %convert_element_type3A, %cond3A : i32
        scf.if %cond3A_451 {
          "tpu.trace_start"() <{level = 10 : i32, message = "ep_copy_in"}> : () -> ()
          %rem3A_751 = arith.constant 2 : i32
          %rem3A_752 = arith.remui %scan3A_401, %rem3A_751 : i32
          %mul3A_753 = arith.constant 8 : i32
          %mul3A_754 = arith.muli %mul3A_753, %add3A_434 : i32
          %dma_start3A_755 = arith.constant 0 : i32
          %dma_start3A_756 = arith.constant 0 : i32
          %dma_start3A_757 = tpu.memref_slice %run_scoped3A[%rem3A_752, %dma_start3A_755, %dma_start3A_756] : memref<2x8x1200xf32, #tpu.memory_space<vmem>> -> memref<1x8x1200xf32, #tpu.memory_space<vmem>>
          %dma_start3A_758 = tpu.memref_squeeze %dma_start3A_757 : memref<1x8x1200xf32, #tpu.memory_space<vmem>> -> memref<8x1200xf32, #tpu.memory_space<vmem>>
          %dma_start3A_759 = arith.constant 0 : i32
          %dma_start3A_760 = tpu.memref_slice %arg2[%mul3A_754, %dma_start3A_759] : memref<16384x1200xf32, #tpu.memory_space<hbm>> -> memref<8x1200xf32, #tpu.memory_space<hbm>>
          %dma_start3A_761 = tpu.memref_slice %run_scoped3A_197[%rem3A_752] : memref<2x!tpu.dma_semaphore, #tpu.memory_space<semaphore_mem>> -> memref<1x!tpu.dma_semaphore, #tpu.memory_space<semaphore_mem>>
          %dma_start3A_762 = tpu.memref_squeeze %dma_start3A_761 : memref<1x!tpu.dma_semaphore, #tpu.memory_space<semaphore_mem>> -> memref<!tpu.dma_semaphore, #tpu.memory_space<semaphore_mem>>
          %dma_start3A_763 = arith.constant 0 : i32
          %dma_start3A_764 = arith.constant 0 : i32
          %dma_start3A_765 = tpu.memref_slice %run_scoped3A[%rem3A_752, %dma_start3A_763, %dma_start3A_764] : memref<2x8x1200xf32, #tpu.memory_space<vmem>> -> memref<1x8x1200xf32, #tpu.memory_space<vmem>>
          %dma_start3A_766 = tpu.memref_squeeze %dma_start3A_765 : memref<1x8x1200xf32, #tpu.memory_space<vmem>> -> memref<8x1200xf32, #tpu.memory_space<vmem>>
          %dma_start3A_767 = arith.constant 0 : i32
          %dma_start3A_768 = tpu.memref_slice %arg2[%mul3A_754, %dma_start3A_767] : memref<16384x1200xf32, #tpu.memory_space<hbm>> -> memref<8x1200xf32, #tpu.memory_space<hbm>>
          tpu.enqueue_dma source(%dma_start3A_768 : memref<8x1200xf32, #tpu.memory_space<hbm>>) target(%dma_start3A_766 : memref<8x1200xf32, #tpu.memory_space<vmem>>) target_semaphore(%dma_start3A_762 : memref<!tpu.dma_semaphore, #tpu.memory_space<semaphore_mem>>)
          "tpu.trace_stop"() : () -> ()
        } else {
        }
        %and3A_452 = arith.constant true
        %and3A_453 = arith.andi %and3A_450, %and3A_452 : i1
        %add3A_454 = arith.constant 1 : i32
        %add3A_455 = arith.addi %scan3A_401, %add3A_454 : i32
        %select_n3A_456 = arith.select %and3A_453, %add3A_455, %scan3A_401 : i32
        %ne3A_457 = arith.cmpi ne, %add3A_416, %add3A_434 : i32
        %or3A_458 = arith.constant false
        %or3A_459 = arith.ori %or3A_458, %ne3A_457 : i1
        %or3A_460 = arith.constant false
        %or3A_461 = arith.ori %or3A_459, %or3A_460 : i1
        %ge3A_462 = arith.constant 63 : i32
        %ge3A_463 = arith.cmpi sge, %scan3A_400, %ge3A_462 : i32
        %not3A_464 = arith.constant true
        %not3A_465 = arith.xori %ge3A_463, %not3A_464 : i1
        %and3A_466 = arith.andi %or3A_461, %not3A_465 : i1
        %convert_element_type3A_467 = arith.extui %and3A_466 : i1 to i32
        %cond3A_468 = arith.constant 0 : i32
        %cond3A_469 = arith.cmpi ne, %convert_element_type3A_467, %cond3A_468 : i32
        scf.if %cond3A_469 {
          "tpu.trace_start"() <{level = 10 : i32, message = "ep_copy_in"}> : () -> ()
          %rem3A_751 = arith.constant 2 : i32
          %rem3A_752 = arith.remui %scan3A_403, %rem3A_751 : i32
          %mul3A_753 = arith.constant 8 : i32
          %mul3A_754 = arith.muli %mul3A_753, %add3A_434 : i32
          %dma_start3A_755 = arith.constant 0 : i32
          %dma_start3A_756 = arith.constant 0 : i32
          %dma_start3A_757 = tpu.memref_slice %run_scoped3A_198[%rem3A_752, %dma_start3A_755, %dma_start3A_756] : memref<2x8x1xi32, #tpu.memory_space<vmem>> -> memref<1x8x1xi32, #tpu.memory_space<vmem>>
          %dma_start3A_758 = tpu.memref_squeeze %dma_start3A_757 : memref<1x8x1xi32, #tpu.memory_space<vmem>> -> memref<8x1xi32, #tpu.memory_space<vmem>>
          %dma_start3A_759 = arith.constant 0 : i32
          %dma_start3A_760 = tpu.memref_slice %arg3[%mul3A_754, %dma_start3A_759] : memref<16384x1xi32, #tpu.memory_space<hbm>> -> memref<8x1xi32, #tpu.memory_space<hbm>>
          %dma_start3A_761 = tpu.memref_slice %run_scoped3A_199[%rem3A_752] : memref<2x!tpu.dma_semaphore, #tpu.memory_space<semaphore_mem>> -> memref<1x!tpu.dma_semaphore, #tpu.memory_space<semaphore_mem>>
          %dma_start3A_762 = tpu.memref_squeeze %dma_start3A_761 : memref<1x!tpu.dma_semaphore, #tpu.memory_space<semaphore_mem>> -> memref<!tpu.dma_semaphore, #tpu.memory_space<semaphore_mem>>
          %dma_start3A_763 = arith.constant 0 : i32
          %dma_start3A_764 = arith.constant 0 : i32
          %dma_start3A_765 = tpu.memref_slice %run_scoped3A_198[%rem3A_752, %dma_start3A_763, %dma_start3A_764] : memref<2x8x1xi32, #tpu.memory_space<vmem>> -> memref<1x8x1xi32, #tpu.memory_space<vmem>>
          %dma_start3A_766 = tpu.memref_squeeze %dma_start3A_765 : memref<1x8x1xi32, #tpu.memory_space<vmem>> -> memref<8x1xi32, #tpu.memory_space<vmem>>
          %dma_start3A_767 = arith.constant 0 : i32
          %dma_start3A_768 = tpu.memref_slice %arg3[%mul3A_754, %dma_start3A_767] : memref<16384x1xi32, #tpu.memory_space<hbm>> -> memref<8x1xi32, #tpu.memory_space<hbm>>
          tpu.enqueue_dma source(%dma_start3A_768 : memref<8x1xi32, #tpu.memory_space<hbm>>) target(%dma_start3A_766 : memref<8x1xi32, #tpu.memory_space<vmem>>) target_semaphore(%dma_start3A_762 : memref<!tpu.dma_semaphore, #tpu.memory_space<semaphore_mem>>)
          "tpu.trace_stop"() : () -> ()
        } else {
        }
        %and3A_470 = arith.constant true
        %and3A_471 = arith.andi %and3A_466, %and3A_470 : i1
        %add3A_472 = arith.constant 1 : i32
        %add3A_473 = arith.addi %scan3A_403, %add3A_472 : i32
        %select_n3A_474 = arith.select %and3A_471, %add3A_473, %scan3A_403 : i32
        %ne3A_475 = arith.cmpi ne, %add3A_416, %add3A_434 : i32
        %or3A_476 = arith.constant false
        %or3A_477 = arith.ori %or3A_476, %ne3A_475 : i1
        %or3A_478 = arith.constant false
        %or3A_479 = arith.ori %or3A_477, %or3A_478 : i1
        %ge3A_480 = arith.constant 63 : i32
        %ge3A_481 = arith.cmpi sge, %scan3A_400, %ge3A_480 : i32
        %not3A_482 = arith.constant true
        %not3A_483 = arith.xori %ge3A_481, %not3A_482 : i1
        %and3A_484 = arith.andi %or3A_479, %not3A_483 : i1
        %convert_element_type3A_485 = arith.extui %and3A_484 : i1 to i32
        %cond3A_486 = arith.constant 0 : i32
        %cond3A_487 = arith.cmpi ne, %convert_element_type3A_485, %cond3A_486 : i32
        scf.if %cond3A_487 {
          "tpu.trace_start"() <{level = 10 : i32, message = "ep_copy_in"}> : () -> ()
          %rem3A_751 = arith.constant 2 : i32
          %rem3A_752 = arith.remui %scan3A_405, %rem3A_751 : i32
          %mul3A_753 = arith.constant 8 : i32
          %mul3A_754 = arith.muli %mul3A_753, %add3A_434 : i32
          %dma_start3A_755 = arith.constant 0 : i32
          %dma_start3A_756 = arith.constant 0 : i32
          %dma_start3A_757 = tpu.memref_slice %run_scoped3A_200[%rem3A_752, %dma_start3A_755, %dma_start3A_756] : memref<2x8x200xi32, #tpu.memory_space<vmem>> -> memref<1x8x200xi32, #tpu.memory_space<vmem>>
          %dma_start3A_758 = tpu.memref_squeeze %dma_start3A_757 : memref<1x8x200xi32, #tpu.memory_space<vmem>> -> memref<8x200xi32, #tpu.memory_space<vmem>>
          %dma_start3A_759 = arith.constant 0 : i32
          %dma_start3A_760 = tpu.memref_slice %arg4[%mul3A_754, %dma_start3A_759] : memref<16384x200xi32, #tpu.memory_space<hbm>> -> memref<8x200xi32, #tpu.memory_space<hbm>>
          %dma_start3A_761 = tpu.memref_slice %run_scoped3A_201[%rem3A_752] : memref<2x!tpu.dma_semaphore, #tpu.memory_space<semaphore_mem>> -> memref<1x!tpu.dma_semaphore, #tpu.memory_space<semaphore_mem>>
          %dma_start3A_762 = tpu.memref_squeeze %dma_start3A_761 : memref<1x!tpu.dma_semaphore, #tpu.memory_space<semaphore_mem>> -> memref<!tpu.dma_semaphore, #tpu.memory_space<semaphore_mem>>
          %dma_start3A_763 = arith.constant 0 : i32
          %dma_start3A_764 = arith.constant 0 : i32
          %dma_start3A_765 = tpu.memref_slice %run_scoped3A_200[%rem3A_752, %dma_start3A_763, %dma_start3A_764] : memref<2x8x200xi32, #tpu.memory_space<vmem>> -> memref<1x8x200xi32, #tpu.memory_space<vmem>>
          %dma_start3A_766 = tpu.memref_squeeze %dma_start3A_765 : memref<1x8x200xi32, #tpu.memory_space<vmem>> -> memref<8x200xi32, #tpu.memory_space<vmem>>
          %dma_start3A_767 = arith.constant 0 : i32
          %dma_start3A_768 = tpu.memref_slice %arg4[%mul3A_754, %dma_start3A_767] : memref<16384x200xi32, #tpu.memory_space<hbm>> -> memref<8x200xi32, #tpu.memory_space<hbm>>
          tpu.enqueue_dma source(%dma_start3A_768 : memref<8x200xi32, #tpu.memory_space<hbm>>) target(%dma_start3A_766 : memref<8x200xi32, #tpu.memory_space<vmem>>) target_semaphore(%dma_start3A_762 : memref<!tpu.dma_semaphore, #tpu.memory_space<semaphore_mem>>)
          "tpu.trace_stop"() : () -> ()
        } else {
        }
        %and3A_488 = arith.constant true
        %and3A_489 = arith.andi %and3A_484, %and3A_488 : i1
        %add3A_490 = arith.constant 1 : i32
        %add3A_491 = arith.addi %scan3A_405, %add3A_490 : i32
        %select_n3A_492 = arith.select %and3A_489, %add3A_491, %scan3A_405 : i32
        %ne3A_493 = arith.cmpi ne, %add3A_416, %add3A_434 : i32
        %or3A_494 = arith.constant false
        %or3A_495 = arith.ori %or3A_494, %ne3A_493 : i1
        %or3A_496 = arith.constant false
        %or3A_497 = arith.ori %or3A_495, %or3A_496 : i1
        %ge3A_498 = arith.constant 63 : i32
        %ge3A_499 = arith.cmpi sge, %scan3A_400, %ge3A_498 : i32
        %not3A_500 = arith.constant true
        %not3A_501 = arith.xori %ge3A_499, %not3A_500 : i1
        %and3A_502 = arith.andi %or3A_497, %not3A_501 : i1
        %convert_element_type3A_503 = arith.extui %and3A_502 : i1 to i32
        %cond3A_504 = arith.constant 0 : i32
        %cond3A_505 = arith.cmpi ne, %convert_element_type3A_503, %cond3A_504 : i32
        scf.if %cond3A_505 {
          "tpu.trace_start"() <{level = 10 : i32, message = "ep_copy_in"}> : () -> ()
          %rem3A_751 = arith.constant 2 : i32
          %rem3A_752 = arith.remui %scan3A_407, %rem3A_751 : i32
          %mul3A_753 = arith.constant 8 : i32
          %mul3A_754 = arith.muli %mul3A_753, %add3A_434 : i32
          %dma_start3A_755 = arith.constant 0 : i32
          %dma_start3A_756 = arith.constant 0 : i32
          %dma_start3A_757 = tpu.memref_slice %run_scoped3A_202[%rem3A_752, %dma_start3A_755, %dma_start3A_756] : memref<2x8x300xi32, #tpu.memory_space<vmem>> -> memref<1x8x300xi32, #tpu.memory_space<vmem>>
          %dma_start3A_758 = tpu.memref_squeeze %dma_start3A_757 : memref<1x8x300xi32, #tpu.memory_space<vmem>> -> memref<8x300xi32, #tpu.memory_space<vmem>>
          %dma_start3A_759 = arith.constant 0 : i32
          %dma_start3A_760 = tpu.memref_slice %arg5[%mul3A_754, %dma_start3A_759] : memref<16384x300xi32, #tpu.memory_space<hbm>> -> memref<8x300xi32, #tpu.memory_space<hbm>>
          %dma_start3A_761 = tpu.memref_slice %run_scoped3A_203[%rem3A_752] : memref<2x!tpu.dma_semaphore, #tpu.memory_space<semaphore_mem>> -> memref<1x!tpu.dma_semaphore, #tpu.memory_space<semaphore_mem>>
          %dma_start3A_762 = tpu.memref_squeeze %dma_start3A_761 : memref<1x!tpu.dma_semaphore, #tpu.memory_space<semaphore_mem>> -> memref<!tpu.dma_semaphore, #tpu.memory_space<semaphore_mem>>
          %dma_start3A_763 = arith.constant 0 : i32
          %dma_start3A_764 = arith.constant 0 : i32
          %dma_start3A_765 = tpu.memref_slice %run_scoped3A_202[%rem3A_752, %dma_start3A_763, %dma_start3A_764] : memref<2x8x300xi32, #tpu.memory_space<vmem>> -> memref<1x8x300xi32, #tpu.memory_space<vmem>>
          %dma_start3A_766 = tpu.memref_squeeze %dma_start3A_765 : memref<1x8x300xi32, #tpu.memory_space<vmem>> -> memref<8x300xi32, #tpu.memory_space<vmem>>
          %dma_start3A_767 = arith.constant 0 : i32
          %dma_start3A_768 = tpu.memref_slice %arg5[%mul3A_754, %dma_start3A_767] : memref<16384x300xi32, #tpu.memory_space<hbm>> -> memref<8x300xi32, #tpu.memory_space<hbm>>
          tpu.enqueue_dma source(%dma_start3A_768 : memref<8x300xi32, #tpu.memory_space<hbm>>) target(%dma_start3A_766 : memref<8x300xi32, #tpu.memory_space<vmem>>) target_semaphore(%dma_start3A_762 : memref<!tpu.dma_semaphore, #tpu.memory_space<semaphore_mem>>)
          "tpu.trace_stop"() : () -> ()
        } else {
        }
        %and3A_506 = arith.constant true
        %and3A_507 = arith.andi %and3A_502, %and3A_506 : i1
        %add3A_508 = arith.constant 1 : i32
        %add3A_509 = arith.addi %scan3A_407, %add3A_508 : i32
        %select_n3A_510 = arith.select %and3A_507, %add3A_509, %scan3A_407 : i32
        %ne3A_511 = arith.cmpi ne, %add3A_416, %add3A_434 : i32
        %or3A_512 = arith.constant false
        %or3A_513 = arith.ori %or3A_512, %ne3A_511 : i1
        %or3A_514 = arith.constant false
        %or3A_515 = arith.ori %or3A_513, %or3A_514 : i1
        %ge3A_516 = arith.constant 63 : i32
        %ge3A_517 = arith.cmpi sge, %scan3A_400, %ge3A_516 : i32
        %not3A_518 = arith.constant true
        %not3A_519 = arith.xori %ge3A_517, %not3A_518 : i1
        %and3A_520 = arith.andi %or3A_515, %not3A_519 : i1
        %ne3A_521 = arith.cmpi ne, %add3A_416, %add3A_425 : i32
        %or3A_522 = arith.constant false
        %or3A_523 = arith.ori %or3A_522, %ne3A_521 : i1
        %or3A_524 = arith.constant false
        %or3A_525 = arith.ori %or3A_523, %or3A_524 : i1
        %or3A_526 = arith.ori %or3A_525, %eq3A_413 : i1
        %convert_element_type3A_527 = arith.extui %or3A_526 : i1 to i32
        %cond3A_528 = arith.constant 0 : i32
        %cond3A_529 = arith.cmpi ne, %convert_element_type3A_527, %cond3A_528 : i32
        scf.if %cond3A_529 {
          "tpu.trace_start"() <{level = 10 : i32, message = "ep_wait_in"}> : () -> ()
          %mul3A_751 = arith.constant 8 : i32
          %mul3A_752 = arith.muli %mul3A_751, %add3A_416 : i32
          %rem3A_753 = arith.constant 2 : i32
          %rem3A_754 = arith.remui %scan3A_402, %rem3A_753 : i32
          %dma_wait3A_755 = arith.constant 0 : i32
          %dma_wait3A_756 = arith.constant 0 : i32
          %dma_wait3A_757 = tpu.memref_slice %run_scoped3A[%rem3A_754, %dma_wait3A_755, %dma_wait3A_756] : memref<2x8x1200xf32, #tpu.memory_space<vmem>> -> memref<1x8x1200xf32, #tpu.memory_space<vmem>>
          %dma_wait3A_758 = tpu.memref_squeeze %dma_wait3A_757 : memref<1x8x1200xf32, #tpu.memory_space<vmem>> -> memref<8x1200xf32, #tpu.memory_space<vmem>>
          %dma_wait3A_759 = arith.constant 0 : i32
          %dma_wait3A_760 = tpu.memref_slice %arg2[%mul3A_752, %dma_wait3A_759] : memref<16384x1200xf32, #tpu.memory_space<hbm>> -> memref<8x1200xf32, #tpu.memory_space<hbm>>
          %dma_wait3A_761 = tpu.memref_slice %run_scoped3A_197[%rem3A_754] : memref<2x!tpu.dma_semaphore, #tpu.memory_space<semaphore_mem>> -> memref<1x!tpu.dma_semaphore, #tpu.memory_space<semaphore_mem>>
          %dma_wait3A_762 = tpu.memref_squeeze %dma_wait3A_761 : memref<1x!tpu.dma_semaphore, #tpu.memory_space<semaphore_mem>> -> memref<!tpu.dma_semaphore, #tpu.memory_space<semaphore_mem>>
          %dma_wait3A_763 = arith.constant 0 : i32
          %dma_wait3A_764 = arith.constant 0 : i32
          %dma_wait3A_765 = tpu.memref_slice %run_scoped3A[%rem3A_754, %dma_wait3A_763, %dma_wait3A_764] : memref<2x8x1200xf32, #tpu.memory_space<vmem>> -> memref<1x8x1200xf32, #tpu.memory_space<vmem>>
          %dma_wait3A_766 = tpu.memref_squeeze %dma_wait3A_765 : memref<1x8x1200xf32, #tpu.memory_space<vmem>> -> memref<8x1200xf32, #tpu.memory_space<vmem>>
          %dma_wait3A_767 = arith.constant 0 : i32
          %dma_wait3A_768 = tpu.memref_slice %arg2[%mul3A_752, %dma_wait3A_767] : memref<16384x1200xf32, #tpu.memory_space<hbm>> -> memref<8x1200xf32, #tpu.memory_space<hbm>>
          tpu.wait_dma2 semaphore(%dma_wait3A_762 : memref<!tpu.dma_semaphore, #tpu.memory_space<semaphore_mem>>) src(%dma_wait3A_768 : memref<8x1200xf32, #tpu.memory_space<hbm>>) dst(%dma_wait3A_766 : memref<8x1200xf32, #tpu.memory_space<vmem>>)
          "tpu.trace_stop"() : () -> ()
        } else {
        }
        %ne3A_530 = arith.cmpi ne, %add3A_416, %add3A_425 : i32
        %or3A_531 = arith.constant false
        %or3A_532 = arith.ori %or3A_531, %ne3A_530 : i1
        %or3A_533 = arith.constant false
        %or3A_534 = arith.ori %or3A_532, %or3A_533 : i1
        %or3A_535 = arith.ori %or3A_534, %eq3A_413 : i1
        %convert_element_type3A_536 = arith.extui %or3A_535 : i1 to i32
        %cond3A_537 = arith.constant 0 : i32
        %cond3A_538 = arith.cmpi ne, %convert_element_type3A_536, %cond3A_537 : i32
        scf.if %cond3A_538 {
          "tpu.trace_start"() <{level = 10 : i32, message = "ep_wait_in"}> : () -> ()
          %mul3A_751 = arith.constant 8 : i32
          %mul3A_752 = arith.muli %mul3A_751, %add3A_416 : i32
          %rem3A_753 = arith.constant 2 : i32
          %rem3A_754 = arith.remui %scan3A_404, %rem3A_753 : i32
          %dma_wait3A_755 = arith.constant 0 : i32
          %dma_wait3A_756 = arith.constant 0 : i32
          %dma_wait3A_757 = tpu.memref_slice %run_scoped3A_198[%rem3A_754, %dma_wait3A_755, %dma_wait3A_756] : memref<2x8x1xi32, #tpu.memory_space<vmem>> -> memref<1x8x1xi32, #tpu.memory_space<vmem>>
          %dma_wait3A_758 = tpu.memref_squeeze %dma_wait3A_757 : memref<1x8x1xi32, #tpu.memory_space<vmem>> -> memref<8x1xi32, #tpu.memory_space<vmem>>
          %dma_wait3A_759 = arith.constant 0 : i32
          %dma_wait3A_760 = tpu.memref_slice %arg3[%mul3A_752, %dma_wait3A_759] : memref<16384x1xi32, #tpu.memory_space<hbm>> -> memref<8x1xi32, #tpu.memory_space<hbm>>
          %dma_wait3A_761 = tpu.memref_slice %run_scoped3A_199[%rem3A_754] : memref<2x!tpu.dma_semaphore, #tpu.memory_space<semaphore_mem>> -> memref<1x!tpu.dma_semaphore, #tpu.memory_space<semaphore_mem>>
          %dma_wait3A_762 = tpu.memref_squeeze %dma_wait3A_761 : memref<1x!tpu.dma_semaphore, #tpu.memory_space<semaphore_mem>> -> memref<!tpu.dma_semaphore, #tpu.memory_space<semaphore_mem>>
          %dma_wait3A_763 = arith.constant 0 : i32
          %dma_wait3A_764 = arith.constant 0 : i32
          %dma_wait3A_765 = tpu.memref_slice %run_scoped3A_198[%rem3A_754, %dma_wait3A_763, %dma_wait3A_764] : memref<2x8x1xi32, #tpu.memory_space<vmem>> -> memref<1x8x1xi32, #tpu.memory_space<vmem>>
          %dma_wait3A_766 = tpu.memref_squeeze %dma_wait3A_765 : memref<1x8x1xi32, #tpu.memory_space<vmem>> -> memref<8x1xi32, #tpu.memory_space<vmem>>
          %dma_wait3A_767 = arith.constant 0 : i32
          %dma_wait3A_768 = tpu.memref_slice %arg3[%mul3A_752, %dma_wait3A_767] : memref<16384x1xi32, #tpu.memory_space<hbm>> -> memref<8x1xi32, #tpu.memory_space<hbm>>
          tpu.wait_dma2 semaphore(%dma_wait3A_762 : memref<!tpu.dma_semaphore, #tpu.memory_space<semaphore_mem>>) src(%dma_wait3A_768 : memref<8x1xi32, #tpu.memory_space<hbm>>) dst(%dma_wait3A_766 : memref<8x1xi32, #tpu.memory_space<vmem>>)
          "tpu.trace_stop"() : () -> ()
        } else {
        }
        %ne3A_539 = arith.cmpi ne, %add3A_416, %add3A_425 : i32
        %or3A_540 = arith.constant false
        %or3A_541 = arith.ori %or3A_540, %ne3A_539 : i1
        %or3A_542 = arith.constant false
        %or3A_543 = arith.ori %or3A_541, %or3A_542 : i1
        %or3A_544 = arith.ori %or3A_543, %eq3A_413 : i1
        %convert_element_type3A_545 = arith.extui %or3A_544 : i1 to i32
        %cond3A_546 = arith.constant 0 : i32
        %cond3A_547 = arith.cmpi ne, %convert_element_type3A_545, %cond3A_546 : i32
        scf.if %cond3A_547 {
          "tpu.trace_start"() <{level = 10 : i32, message = "ep_wait_in"}> : () -> ()
          %mul3A_751 = arith.constant 8 : i32
          %mul3A_752 = arith.muli %mul3A_751, %add3A_416 : i32
          %rem3A_753 = arith.constant 2 : i32
          %rem3A_754 = arith.remui %scan3A_406, %rem3A_753 : i32
          %dma_wait3A_755 = arith.constant 0 : i32
          %dma_wait3A_756 = arith.constant 0 : i32
          %dma_wait3A_757 = tpu.memref_slice %run_scoped3A_200[%rem3A_754, %dma_wait3A_755, %dma_wait3A_756] : memref<2x8x200xi32, #tpu.memory_space<vmem>> -> memref<1x8x200xi32, #tpu.memory_space<vmem>>
          %dma_wait3A_758 = tpu.memref_squeeze %dma_wait3A_757 : memref<1x8x200xi32, #tpu.memory_space<vmem>> -> memref<8x200xi32, #tpu.memory_space<vmem>>
          %dma_wait3A_759 = arith.constant 0 : i32
          %dma_wait3A_760 = tpu.memref_slice %arg4[%mul3A_752, %dma_wait3A_759] : memref<16384x200xi32, #tpu.memory_space<hbm>> -> memref<8x200xi32, #tpu.memory_space<hbm>>
          %dma_wait3A_761 = tpu.memref_slice %run_scoped3A_201[%rem3A_754] : memref<2x!tpu.dma_semaphore, #tpu.memory_space<semaphore_mem>> -> memref<1x!tpu.dma_semaphore, #tpu.memory_space<semaphore_mem>>
          %dma_wait3A_762 = tpu.memref_squeeze %dma_wait3A_761 : memref<1x!tpu.dma_semaphore, #tpu.memory_space<semaphore_mem>> -> memref<!tpu.dma_semaphore, #tpu.memory_space<semaphore_mem>>
          %dma_wait3A_763 = arith.constant 0 : i32
          %dma_wait3A_764 = arith.constant 0 : i32
          %dma_wait3A_765 = tpu.memref_slice %run_scoped3A_200[%rem3A_754, %dma_wait3A_763, %dma_wait3A_764] : memref<2x8x200xi32, #tpu.memory_space<vmem>> -> memref<1x8x200xi32, #tpu.memory_space<vmem>>
          %dma_wait3A_766 = tpu.memref_squeeze %dma_wait3A_765 : memref<1x8x200xi32, #tpu.memory_space<vmem>> -> memref<8x200xi32, #tpu.memory_space<vmem>>
          %dma_wait3A_767 = arith.constant 0 : i32
          %dma_wait3A_768 = tpu.memref_slice %arg4[%mul3A_752, %dma_wait3A_767] : memref<16384x200xi32, #tpu.memory_space<hbm>> -> memref<8x200xi32, #tpu.memory_space<hbm>>
          tpu.wait_dma2 semaphore(%dma_wait3A_762 : memref<!tpu.dma_semaphore, #tpu.memory_space<semaphore_mem>>) src(%dma_wait3A_768 : memref<8x200xi32, #tpu.memory_space<hbm>>) dst(%dma_wait3A_766 : memref<8x200xi32, #tpu.memory_space<vmem>>)
          "tpu.trace_stop"() : () -> ()
        } else {
        }
        %ne3A_548 = arith.cmpi ne, %add3A_416, %add3A_425 : i32
        %or3A_549 = arith.constant false
        %or3A_550 = arith.ori %or3A_549, %ne3A_548 : i1
        %or3A_551 = arith.constant false
        %or3A_552 = arith.ori %or3A_550, %or3A_551 : i1
        %or3A_553 = arith.ori %or3A_552, %eq3A_413 : i1
        %convert_element_type3A_554 = arith.extui %or3A_553 : i1 to i32
        %cond3A_555 = arith.constant 0 : i32
        %cond3A_556 = arith.cmpi ne, %convert_element_type3A_554, %cond3A_555 : i32
        scf.if %cond3A_556 {
          "tpu.trace_start"() <{level = 10 : i32, message = "ep_wait_in"}> : () -> ()
          %mul3A_751 = arith.constant 8 : i32
          %mul3A_752 = arith.muli %mul3A_751, %add3A_416 : i32
          %rem3A_753 = arith.constant 2 : i32
          %rem3A_754 = arith.remui %scan3A_408, %rem3A_753 : i32
          %dma_wait3A_755 = arith.constant 0 : i32
          %dma_wait3A_756 = arith.constant 0 : i32
          %dma_wait3A_757 = tpu.memref_slice %run_scoped3A_202[%rem3A_754, %dma_wait3A_755, %dma_wait3A_756] : memref<2x8x300xi32, #tpu.memory_space<vmem>> -> memref<1x8x300xi32, #tpu.memory_space<vmem>>
          %dma_wait3A_758 = tpu.memref_squeeze %dma_wait3A_757 : memref<1x8x300xi32, #tpu.memory_space<vmem>> -> memref<8x300xi32, #tpu.memory_space<vmem>>
          %dma_wait3A_759 = arith.constant 0 : i32
          %dma_wait3A_760 = tpu.memref_slice %arg5[%mul3A_752, %dma_wait3A_759] : memref<16384x300xi32, #tpu.memory_space<hbm>> -> memref<8x300xi32, #tpu.memory_space<hbm>>
          %dma_wait3A_761 = tpu.memref_slice %run_scoped3A_203[%rem3A_754] : memref<2x!tpu.dma_semaphore, #tpu.memory_space<semaphore_mem>> -> memref<1x!tpu.dma_semaphore, #tpu.memory_space<semaphore_mem>>
          %dma_wait3A_762 = tpu.memref_squeeze %dma_wait3A_761 : memref<1x!tpu.dma_semaphore, #tpu.memory_space<semaphore_mem>> -> memref<!tpu.dma_semaphore, #tpu.memory_space<semaphore_mem>>
          %dma_wait3A_763 = arith.constant 0 : i32
          %dma_wait3A_764 = arith.constant 0 : i32
          %dma_wait3A_765 = tpu.memref_slice %run_scoped3A_202[%rem3A_754, %dma_wait3A_763, %dma_wait3A_764] : memref<2x8x300xi32, #tpu.memory_space<vmem>> -> memref<1x8x300xi32, #tpu.memory_space<vmem>>
          %dma_wait3A_766 = tpu.memref_squeeze %dma_wait3A_765 : memref<1x8x300xi32, #tpu.memory_space<vmem>> -> memref<8x300xi32, #tpu.memory_space<vmem>>
          %dma_wait3A_767 = arith.constant 0 : i32
          %dma_wait3A_768 = tpu.memref_slice %arg5[%mul3A_752, %dma_wait3A_767] : memref<16384x300xi32, #tpu.memory_space<hbm>> -> memref<8x300xi32, #tpu.memory_space<hbm>>
          tpu.wait_dma2 semaphore(%dma_wait3A_762 : memref<!tpu.dma_semaphore, #tpu.memory_space<semaphore_mem>>) src(%dma_wait3A_768 : memref<8x300xi32, #tpu.memory_space<hbm>>) dst(%dma_wait3A_766 : memref<8x300xi32, #tpu.memory_space<vmem>>)
          "tpu.trace_stop"() : () -> ()
        } else {
        }
        %ne3A_557 = arith.cmpi ne, %add3A_416, %add3A_425 : i32
        %or3A_558 = arith.constant false
        %or3A_559 = arith.ori %or3A_558, %ne3A_557 : i1
        %or3A_560 = arith.constant false
        %or3A_561 = arith.ori %or3A_559, %or3A_560 : i1
        %or3A_562 = arith.ori %or3A_561, %eq3A_413 : i1
        %convert_element_type3A_563 = arith.extui %or3A_562 : i1 to i32
        %cond3A_564 = arith.constant 0 : i32
        %cond3A_565 = arith.cmpi ne, %convert_element_type3A_563, %cond3A_564 : i32
        scf.if %cond3A_565 {
        } else {
        }
        %rem3A_566 = arith.constant 2 : i32
        %rem3A_567 = arith.remui %scan3A_402, %rem3A_566 : i32
        %rem3A_568 = arith.constant 2 : i32
        %rem3A_569 = arith.remui %scan3A_404, %rem3A_568 : i32
        %rem3A_570 = arith.constant 2 : i32
        %rem3A_571 = arith.remui %scan3A_406, %rem3A_570 : i32
        %rem3A_572 = arith.constant 2 : i32
        %rem3A_573 = arith.remui %scan3A_408, %rem3A_572 : i32
        %rem3A_574 = arith.constant 2 : i32
        %rem3A_575 = arith.remui %scan3A_409, %rem3A_574 : i32
        "tpu.trace_start"() <{level = 10 : i32, message = "ep_run_kernel"}> : () -> ()
        %scan3A_576 = arith.constant 0 : i32
        %scan3A_577 = arith.constant 8 : i32
        %scan3A_578 = arith.addi %scan3A_576, %scan3A_577 : i32
        %scan3A_579 = arith.constant 1 : i32
        scf.for %scan3A_751 = %scan3A_576 to %scan3A_578 step %scan3A_579  : i32 {
          %mul3A_752 = arith.constant 1 : i32
          %mul3A_753 = arith.muli %scan3A_751, %mul3A_752 : i32
          %add3A_754 = arith.constant 0 : i32
          %add3A_755 = arith.addi %add3A_754, %mul3A_753 : i32
          %broadcast_in_dim3A = vector.broadcast %add3A_755 : i32 to vector<16xi32>
          %broadcast_in_dim3A_756 = arith.constant 0 : i32
          %broadcast_in_dim3A_757 = vector.broadcast %broadcast_in_dim3A_756 : i32 to vector<16xi32>
          %gather3A = arith.constant 0 : i32
          %gather3A_758 = arith.constant 0 : i32
          %gather3A_759 = tpu.memref_slice %run_scoped3A_198[%rem3A_569, %gather3A, %gather3A_758] : memref<2x8x1xi32, #tpu.memory_space<vmem>> -> memref<1x8x1xi32, #tpu.memory_space<vmem>>
          %gather3A_760 = tpu.memref_squeeze %gather3A_759 : memref<1x8x1xi32, #tpu.memory_space<vmem>> -> memref<8x1xi32, #tpu.memory_space<vmem>>
          %gather3A_761 = tpu.vector_load_idx %gather3A_760[%broadcast_in_dim3A, %broadcast_in_dim3A_757] : memref<8x1xi32, #tpu.memory_space<vmem>>[vector<16xi32>, vector<16xi32>], vector<16xi32>,
          %jit3A_762 = arith.constant 0 : i32
          %jit3A_763 = arith.constant 20 : i32
          %max3A = vector.broadcast %jit3A_762 : i32 to vector<16xi32>
          %max3A_764 = arith.maxsi %max3A, %gather3A_761 : vector<16xi32>
          %min3A = vector.broadcast %jit3A_763 : i32 to vector<16xi32>
          %min3A_765 = arith.minsi %min3A, %max3A_764 : vector<16xi32>
          %mul3A_766 = arith.constant 168 : i32
          %mul3A_767 = vector.broadcast %mul3A_766 : i32 to vector<16xi32>
          %mul3A_768 = arith.muli %min3A_765, %mul3A_767 : vector<16xi32>
          %scan3A_769 = arith.constant 0 : i32
          %scan3A_770 = arith.constant 25 : i32
          %scan3A_771 = arith.addi %scan3A_769, %scan3A_770 : i32
          %scan3A_772 = arith.constant 1 : i32
          scf.for %scan3A_774 = %scan3A_769 to %scan3A_771 step %scan3A_772  : i32 {
            %mul3A_775 = arith.constant 1 : i32
            %mul3A_776 = arith.muli %scan3A_774, %mul3A_775 : i32
            %add3A_777 = arith.constant 0 : i32
            %add3A_778 = arith.addi %add3A_777, %mul3A_776 : i32
            %mul3A_779 = arith.constant 48 : i32
            %mul3A_780 = arith.muli %add3A_778, %mul3A_779 : i32
            %add3A_781 = arith.constant 0 : i32
            %add3A_782 = arith.addi %mul3A_780, %add3A_781 : i32
            %mul3A_783 = arith.constant 8 : i32
            %mul3A_784 = arith.muli %mul3A_783, %add3A_778 : i32
            %add3A_785 = vector.broadcast %mul3A_784 : i32 to vector<16xi32>
            %add3A_786 = arith.addi %select_n3A, %add3A_785 : vector<16xi32>
            %gather3A_787 = arith.constant 0 : i32
            %gather3A_788 = arith.constant 0 : i32
            %gather3A_789 = tpu.memref_slice %run_scoped3A_200[%rem3A_571, %gather3A_787, %gather3A_788] : memref<2x8x200xi32, #tpu.memory_space<vmem>> -> memref<1x8x200xi32, #tpu.memory_space<vmem>>
            %gather3A_790 = tpu.memref_squeeze %gather3A_789 : memref<1x8x200xi32, #tpu.memory_space<vmem>> -> memref<8x200xi32, #tpu.memory_space<vmem>>
            %gather3A_791 = tpu.vector_load_idx %gather3A_790[%broadcast_in_dim3A, %add3A_786] : memref<8x200xi32, #tpu.memory_space<vmem>>[vector<16xi32>, vector<16xi32>], vector<16xi32>,
            %jit3A_792 = arith.constant 0 : i32
            %jit3A_793 = arith.constant 20 : i32
            %max3A_794 = vector.broadcast %jit3A_792 : i32 to vector<16xi32>
            %max3A_795 = arith.maxsi %max3A_794, %gather3A_791 : vector<16xi32>
            %min3A_796 = vector.broadcast %jit3A_793 : i32 to vector<16xi32>
            %min3A_797 = arith.minsi %min3A_796, %max3A_795 : vector<16xi32>
            %shift_left3A_798 = arith.constant 3 : i32
            %shift_left3A_799 = vector.broadcast %shift_left3A_798 : i32 to vector<16xi32>
            %shift_left3A_800 = arith.shli %min3A_797, %shift_left3A_799 : vector<16xi32>
            %add3A_801 = arith.addi %select_n3A_127, %mul3A_768 : vector<16xi32>
            %add3A_802 = arith.addi %shift_left3A_800, %add3A_801 : vector<16xi32>
            %gather3A_803 = tpu.vector_load_idx %arg9[%add3A_802] : memref<3584xf32, #tpu.memory_space<vmem>>[vector<16xi32>], vector<16xf32>,
            %get3A = arith.constant 0 : i32
            %get3A_804 = arith.constant 0 : i32
            %get3A_805 = tpu.memref_slice %run_scoped3A[%rem3A_567, %get3A, %get3A_804] : memref<2x8x1200xf32, #tpu.memory_space<vmem>> -> memref<1x8x1200xf32, #tpu.memory_space<vmem>>
            %get3A_806 = tpu.memref_squeeze %get3A_805 : memref<1x8x1200xf32, #tpu.memory_space<vmem>> -> memref<8x1200xf32, #tpu.memory_space<vmem>>
            %get3A_807 = arith.index_cast %add3A_755 : i32 to index
            %get3A_808 = arith.index_cast %add3A_782 : i32 to index
            %get3A_809 = tpu.vector_load %get3A_806[%get3A_807, %get3A_808] {strides = array<i32>} : memref<8x1200xf32, #tpu.memory_space<vmem>>, vector<16xf32>,
            %shift_right_arithmetic3A_810 = arith.constant 2 : i32
            %shift_right_arithmetic3A_811 = arith.shrsi %add3A_782, %shift_right_arithmetic3A_810 : i32
            %add3A_812 = vector.broadcast %shift_right_arithmetic3A_811 : i32 to vector<16xi32>
            %add3A_813 = arith.addi %shift_right_arithmetic3A_188, %add3A_812 : vector<16xi32>
            %gather3A_814 = arith.constant 0 : i32
            %gather3A_815 = arith.constant 0 : i32
            %gather3A_816 = tpu.memref_slice %run_scoped3A_202[%rem3A_573, %gather3A_814, %gather3A_815] : memref<2x8x300xi32, #tpu.memory_space<vmem>> -> memref<1x8x300xi32, #tpu.memory_space<vmem>>
            %gather3A_817 = tpu.memref_squeeze %gather3A_816 : memref<1x8x300xi32, #tpu.memory_space<vmem>> -> memref<8x300xi32, #tpu.memory_space<vmem>>
            %gather3A_818 = tpu.vector_load_idx %gather3A_817[%broadcast_in_dim3A, %add3A_813] : memref<8x300xi32, #tpu.memory_space<vmem>>[vector<16xi32>, vector<16xi32>], vector<16xi32>,
            %and3A_819 = arith.andi %gather3A_818, %shift_left3A_185 : vector<16xi32>
            %ne3A_820 = arith.constant 0 : i32
            %ne3A_821 = vector.broadcast %ne3A_820 : i32 to vector<16xi32>
            %ne3A_822 = arith.cmpi ne, %and3A_819, %ne3A_821 : vector<16xi32>
            %add3A_823 = arith.addf %get3A_809, %gather3A_803 : vector<16xf32>
            %select_n3A_824 = arith.select %ne3A_822, %add3A_823, %get3A_809 : vector<16xi1>, vector<16xf32>
            %swap3A = arith.constant 0 : i32
            %swap3A_825 = arith.constant 0 : i32
            %swap3A_826 = tpu.memref_slice %run_scoped3A_204[%rem3A_575, %swap3A, %swap3A_825] : memref<2x8x1200xf32, #tpu.memory_space<vmem>> -> memref<1x8x1200xf32, #tpu.memory_space<vmem>>
            %swap3A_827 = tpu.memref_squeeze %swap3A_826 : memref<1x8x1200xf32, #tpu.memory_space<vmem>> -> memref<8x1200xf32, #tpu.memory_space<vmem>>
            %swap3A_828 = arith.index_cast %add3A_755 : i32 to index
            %swap3A_829 = arith.index_cast %add3A_782 : i32 to index
            %swap3A_830 = tpu.vector_load %swap3A_827[%swap3A_828, %swap3A_829] {strides = array<i32>} : memref<8x1200xf32, #tpu.memory_space<vmem>>, vector<16xf32>,
            tpu.vector_store %swap3A_827[%swap3A_828, %swap3A_829], %select_n3A_824 {strides = array<i32>} : memref<8x1200xf32, #tpu.memory_space<vmem>>, vector<16xf32>,
            %mul3A_831 = arith.constant 48 : i32
            %mul3A_832 = arith.muli %add3A_778, %mul3A_831 : i32
            %add3A_833 = arith.constant 16 : i32
            %add3A_834 = arith.addi %mul3A_832, %add3A_833 : i32
            %mul3A_835 = arith.constant 8 : i32
            %mul3A_836 = arith.muli %mul3A_835, %add3A_778 : i32
            %add3A_837 = vector.broadcast %mul3A_836 : i32 to vector<16xi32>
            %add3A_838 = arith.addi %select_n3A_69, %add3A_837 : vector<16xi32>
            %gather3A_839 = arith.constant 0 : i32
            %gather3A_840 = arith.constant 0 : i32
            %gather3A_841 = tpu.memref_slice %run_scoped3A_200[%rem3A_571, %gather3A_839, %gather3A_840] : memref<2x8x200xi32, #tpu.memory_space<vmem>> -> memref<1x8x200xi32, #tpu.memory_space<vmem>>
            %gather3A_842 = tpu.memref_squeeze %gather3A_841 : memref<1x8x200xi32, #tpu.memory_space<vmem>> -> memref<8x200xi32, #tpu.memory_space<vmem>>
            %gather3A_843 = tpu.vector_load_idx %gather3A_842[%broadcast_in_dim3A, %add3A_838] : memref<8x200xi32, #tpu.memory_space<vmem>>[vector<16xi32>, vector<16xi32>], vector<16xi32>,
            %jit3A_844 = arith.constant 0 : i32
            %jit3A_845 = arith.constant 20 : i32
            %max3A_846 = vector.broadcast %jit3A_844 : i32 to vector<16xi32>
            %max3A_847 = arith.maxsi %max3A_846, %gather3A_843 : vector<16xi32>
            %min3A_848 = vector.broadcast %jit3A_845 : i32 to vector<16xi32>
            %min3A_849 = arith.minsi %min3A_848, %max3A_847 : vector<16xi32>
            %shift_left3A_850 = arith.constant 3 : i32
            %shift_left3A_851 = vector.broadcast %shift_left3A_850 : i32 to vector<16xi32>
            %shift_left3A_852 = arith.shli %min3A_849, %shift_left3A_851 : vector<16xi32>
            %add3A_853 = arith.addi %select_n3A_152, %mul3A_768 : vector<16xi32>
            %add3A_854 = arith.addi %shift_left3A_852, %add3A_853 : vector<16xi32>
            %gather3A_855 = tpu.vector_load_idx %arg9[%add3A_854] : memref<3584xf32, #tpu.memory_space<vmem>>[vector<16xi32>], vector<16xf32>,
            %get3A_856 = arith.constant 0 : i32
            %get3A_857 = arith.constant 0 : i32
            %get3A_858 = tpu.memref_slice %run_scoped3A[%rem3A_567, %get3A_856, %get3A_857] : memref<2x8x1200xf32, #tpu.memory_space<vmem>> -> memref<1x8x1200xf32, #tpu.memory_space<vmem>>
            %get3A_859 = tpu.memref_squeeze %get3A_858 : memref<1x8x1200xf32, #tpu.memory_space<vmem>> -> memref<8x1200xf32, #tpu.memory_space<vmem>>
            %get3A_860 = arith.index_cast %add3A_755 : i32 to index
            %get3A_861 = arith.index_cast %add3A_834 : i32 to index
            %get3A_862 = tpu.vector_load %get3A_859[%get3A_860, %get3A_861] {strides = array<i32>} : memref<8x1200xf32, #tpu.memory_space<vmem>>, vector<16xf32>,
            %shift_right_arithmetic3A_863 = arith.constant 2 : i32
            %shift_right_arithmetic3A_864 = arith.shrsi %add3A_834, %shift_right_arithmetic3A_863 : i32
            %add3A_865 = vector.broadcast %shift_right_arithmetic3A_864 : i32 to vector<16xi32>
            %add3A_866 = arith.addi %shift_right_arithmetic3A_188, %add3A_865 : vector<16xi32>
            %gather3A_867 = arith.constant 0 : i32
            %gather3A_868 = arith.constant 0 : i32
            %gather3A_869 = tpu.memref_slice %run_scoped3A_202[%rem3A_573, %gather3A_867, %gather3A_868] : memref<2x8x300xi32, #tpu.memory_space<vmem>> -> memref<1x8x300xi32, #tpu.memory_space<vmem>>
            %gather3A_870 = tpu.memref_squeeze %gather3A_869 : memref<1x8x300xi32, #tpu.memory_space<vmem>> -> memref<8x300xi32, #tpu.memory_space<vmem>>
            %gather3A_871 = tpu.vector_load_idx %gather3A_870[%broadcast_in_dim3A, %add3A_866] : memref<8x300xi32, #tpu.memory_space<vmem>>[vector<16xi32>, vector<16xi32>], vector<16xi32>,
            %and3A_872 = arith.andi %gather3A_871, %shift_left3A_185 : vector<16xi32>
            %ne3A_873 = arith.constant 0 : i32
            %ne3A_874 = vector.broadcast %ne3A_873 : i32 to vector<16xi32>
            %ne3A_875 = arith.cmpi ne, %and3A_872, %ne3A_874 : vector<16xi32>
            %add3A_876 = arith.addf %get3A_862, %gather3A_855 : vector<16xf32>
            %select_n3A_877 = arith.select %ne3A_875, %add3A_876, %get3A_862 : vector<16xi1>, vector<16xf32>
            %swap3A_878 = arith.constant 0 : i32
            %swap3A_879 = arith.constant 0 : i32
            %swap3A_880 = tpu.memref_slice %run_scoped3A_204[%rem3A_575, %swap3A_878, %swap3A_879] : memref<2x8x1200xf32, #tpu.memory_space<vmem>> -> memref<1x8x1200xf32, #tpu.memory_space<vmem>>
            %swap3A_881 = tpu.memref_squeeze %swap3A_880 : memref<1x8x1200xf32, #tpu.memory_space<vmem>> -> memref<8x1200xf32, #tpu.memory_space<vmem>>
            %swap3A_882 = arith.index_cast %add3A_755 : i32 to index
            %swap3A_883 = arith.index_cast %add3A_834 : i32 to index
            %swap3A_884 = tpu.vector_load %swap3A_881[%swap3A_882, %swap3A_883] {strides = array<i32>} : memref<8x1200xf32, #tpu.memory_space<vmem>>, vector<16xf32>,
            tpu.vector_store %swap3A_881[%swap3A_882, %swap3A_883], %select_n3A_877 {strides = array<i32>} : memref<8x1200xf32, #tpu.memory_space<vmem>>, vector<16xf32>,
            %mul3A_885 = arith.constant 48 : i32
            %mul3A_886 = arith.muli %add3A_778, %mul3A_885 : i32
            %add3A_887 = arith.constant 32 : i32
            %add3A_888 = arith.addi %mul3A_886, %add3A_887 : i32
            %mul3A_889 = arith.constant 8 : i32
            %mul3A_890 = arith.muli %mul3A_889, %add3A_778 : i32
            %add3A_891 = vector.broadcast %mul3A_890 : i32 to vector<16xi32>
            %add3A_892 = arith.addi %select_n3A_103, %add3A_891 : vector<16xi32>
            %gather3A_893 = arith.constant 0 : i32
            %gather3A_894 = arith.constant 0 : i32
            %gather3A_895 = tpu.memref_slice %run_scoped3A_200[%rem3A_571, %gather3A_893, %gather3A_894] : memref<2x8x200xi32, #tpu.memory_space<vmem>> -> memref<1x8x200xi32, #tpu.memory_space<vmem>>
            %gather3A_896 = tpu.memref_squeeze %gather3A_895 : memref<1x8x200xi32, #tpu.memory_space<vmem>> -> memref<8x200xi32, #tpu.memory_space<vmem>>
            %gather3A_897 = tpu.vector_load_idx %gather3A_896[%broadcast_in_dim3A, %add3A_892] : memref<8x200xi32, #tpu.memory_space<vmem>>[vector<16xi32>, vector<16xi32>], vector<16xi32>,
            %jit3A_898 = arith.constant 0 : i32
            %jit3A_899 = arith.constant 20 : i32
            %max3A_900 = vector.broadcast %jit3A_898 : i32 to vector<16xi32>
            %max3A_901 = arith.maxsi %max3A_900, %gather3A_897 : vector<16xi32>
            %min3A_902 = vector.broadcast %jit3A_899 : i32 to vector<16xi32>
            %min3A_903 = arith.minsi %min3A_902, %max3A_901 : vector<16xi32>
            %shift_left3A_904 = arith.constant 3 : i32
            %shift_left3A_905 = vector.broadcast %shift_left3A_904 : i32 to vector<16xi32>
            %shift_left3A_906 = arith.shli %min3A_903, %shift_left3A_905 : vector<16xi32>
            %add3A_907 = arith.addi %select_n3A_177, %mul3A_768 : vector<16xi32>
            %add3A_908 = arith.addi %shift_left3A_906, %add3A_907 : vector<16xi32>
            %gather3A_909 = tpu.vector_load_idx %arg9[%add3A_908] : memref<3584xf32, #tpu.memory_space<vmem>>[vector<16xi32>], vector<16xf32>,
            %get3A_910 = arith.constant 0 : i32
            %get3A_911 = arith.constant 0 : i32
            %get3A_912 = tpu.memref_slice %run_scoped3A[%rem3A_567, %get3A_910, %get3A_911] : memref<2x8x1200xf32, #tpu.memory_space<vmem>> -> memref<1x8x1200xf32, #tpu.memory_space<vmem>>
            %get3A_913 = tpu.memref_squeeze %get3A_912 : memref<1x8x1200xf32, #tpu.memory_space<vmem>> -> memref<8x1200xf32, #tpu.memory_space<vmem>>
            %get3A_914 = arith.index_cast %add3A_755 : i32 to index
            %get3A_915 = arith.index_cast %add3A_888 : i32 to index
            %get3A_916 = tpu.vector_load %get3A_913[%get3A_914, %get3A_915] {strides = array<i32>} : memref<8x1200xf32, #tpu.memory_space<vmem>>, vector<16xf32>,
            %shift_right_arithmetic3A_917 = arith.constant 2 : i32
            %shift_right_arithmetic3A_918 = arith.shrsi %add3A_888, %shift_right_arithmetic3A_917 : i32
            %add3A_919 = vector.broadcast %shift_right_arithmetic3A_918 : i32 to vector<16xi32>
            %add3A_920 = arith.addi %shift_right_arithmetic3A_188, %add3A_919 : vector<16xi32>
            %gather3A_921 = arith.constant 0 : i32
            %gather3A_922 = arith.constant 0 : i32
            %gather3A_923 = tpu.memref_slice %run_scoped3A_202[%rem3A_573, %gather3A_921, %gather3A_922] : memref<2x8x300xi32, #tpu.memory_space<vmem>> -> memref<1x8x300xi32, #tpu.memory_space<vmem>>
            %gather3A_924 = tpu.memref_squeeze %gather3A_923 : memref<1x8x300xi32, #tpu.memory_space<vmem>> -> memref<8x300xi32, #tpu.memory_space<vmem>>
            %gather3A_925 = tpu.vector_load_idx %gather3A_924[%broadcast_in_dim3A, %add3A_920] : memref<8x300xi32, #tpu.memory_space<vmem>>[vector<16xi32>, vector<16xi32>], vector<16xi32>,
            %and3A_926 = arith.andi %gather3A_925, %shift_left3A_185 : vector<16xi32>
            %ne3A_927 = arith.constant 0 : i32
            %ne3A_928 = vector.broadcast %ne3A_927 : i32 to vector<16xi32>
            %ne3A_929 = arith.cmpi ne, %and3A_926, %ne3A_928 : vector<16xi32>
            %add3A_930 = arith.addf %get3A_916, %gather3A_909 : vector<16xf32>
            %select_n3A_931 = arith.select %ne3A_929, %add3A_930, %get3A_916 : vector<16xi1>, vector<16xf32>
            %swap3A_932 = arith.constant 0 : i32
            %swap3A_933 = arith.constant 0 : i32
            %swap3A_934 = tpu.memref_slice %run_scoped3A_204[%rem3A_575, %swap3A_932, %swap3A_933] : memref<2x8x1200xf32, #tpu.memory_space<vmem>> -> memref<1x8x1200xf32, #tpu.memory_space<vmem>>
            %swap3A_935 = tpu.memref_squeeze %swap3A_934 : memref<1x8x1200xf32, #tpu.memory_space<vmem>> -> memref<8x1200xf32, #tpu.memory_space<vmem>>
            %swap3A_936 = arith.index_cast %add3A_755 : i32 to index
            %swap3A_937 = arith.index_cast %add3A_888 : i32 to index
            %swap3A_938 = tpu.vector_load %swap3A_935[%swap3A_936, %swap3A_937] {strides = array<i32>} : memref<8x1200xf32, #tpu.memory_space<vmem>>, vector<16xf32>,
            tpu.vector_store %swap3A_935[%swap3A_936, %swap3A_937], %select_n3A_931 {strides = array<i32>} : memref<8x1200xf32, #tpu.memory_space<vmem>>, vector<16xf32>,
          }
          %scan3A_773 = arith.constant 25 : i32
        }
        %scan3A_580 = arith.constant 8 : i32
        "tpu.trace_stop"() : () -> ()
        %ne3A_581 = arith.cmpi ne, %add3A_416, %add3A_434 : i32
        %or3A_582 = arith.constant false
        %or3A_583 = arith.ori %or3A_582, %ne3A_581 : i1
        %or3A_584 = arith.constant false
        %or3A_585 = arith.ori %or3A_583, %or3A_584 : i1
        %or3A_586 = arith.ori %or3A_585, %eq3A_415 : i1
        %convert_element_type3A_587 = arith.extui %or3A_586 : i1 to i32
        %cond3A_588 = arith.constant 0 : i32
        %cond3A_589 = arith.cmpi ne, %convert_element_type3A_587, %cond3A_588 : i32
        scf.if %cond3A_589 {
        } else {
        }
        %and3A_590 = arith.constant false
        %and3A_591 = arith.andi %or3A_586, %and3A_590 : i1
        %ne3A_592 = arith.cmpi ne, %add3A_416, %add3A_434 : i32
        %or3A_593 = arith.constant false
        %or3A_594 = arith.ori %or3A_593, %ne3A_592 : i1
        %or3A_595 = arith.constant false
        %or3A_596 = arith.ori %or3A_594, %or3A_595 : i1
        %or3A_597 = arith.ori %or3A_596, %eq3A_415 : i1
        %convert_element_type3A_598 = arith.extui %or3A_597 : i1 to i32
        %cond3A_599 = arith.constant 0 : i32
        %cond3A_600 = arith.cmpi ne, %convert_element_type3A_598, %cond3A_599 : i32
        scf.if %cond3A_600 {
        } else {
        }
        %and3A_601 = arith.constant false
        %and3A_602 = arith.andi %or3A_597, %and3A_601 : i1
        %ne3A_603 = arith.cmpi ne, %add3A_416, %add3A_434 : i32
        %or3A_604 = arith.constant false
        %or3A_605 = arith.ori %or3A_604, %ne3A_603 : i1
        %or3A_606 = arith.constant false
        %or3A_607 = arith.ori %or3A_605, %or3A_606 : i1
        %or3A_608 = arith.ori %or3A_607, %eq3A_415 : i1
        %convert_element_type3A_609 = arith.extui %or3A_608 : i1 to i32
        %cond3A_610 = arith.constant 0 : i32
        %cond3A_611 = arith.cmpi ne, %convert_element_type3A_609, %cond3A_610 : i32
        scf.if %cond3A_611 {
        } else {
        }
        %and3A_612 = arith.constant false
        %and3A_613 = arith.andi %or3A_608, %and3A_612 : i1
        %ne3A_614 = arith.cmpi ne, %add3A_416, %add3A_434 : i32
        %or3A_615 = arith.constant false
        %or3A_616 = arith.ori %or3A_615, %ne3A_614 : i1
        %or3A_617 = arith.constant false
        %or3A_618 = arith.ori %or3A_616, %or3A_617 : i1
        %or3A_619 = arith.ori %or3A_618, %eq3A_415 : i1
        %convert_element_type3A_620 = arith.extui %or3A_619 : i1 to i32
        %cond3A_621 = arith.constant 0 : i32
        %cond3A_622 = arith.cmpi ne, %convert_element_type3A_620, %cond3A_621 : i32
        scf.if %cond3A_622 {
        } else {
        }
        %and3A_623 = arith.constant false
        %and3A_624 = arith.andi %or3A_619, %and3A_623 : i1
        %ne3A_625 = arith.cmpi ne, %add3A_416, %add3A_434 : i32
        %or3A_626 = arith.constant false
        %or3A_627 = arith.ori %or3A_626, %ne3A_625 : i1
        %or3A_628 = arith.constant false
        %or3A_629 = arith.ori %or3A_627, %or3A_628 : i1
        %or3A_630 = arith.ori %or3A_629, %eq3A_415 : i1
        %convert_element_type3A_631 = arith.extui %or3A_630 : i1 to i32
        %cond3A_632 = arith.constant 0 : i32
        %cond3A_633 = arith.cmpi ne, %convert_element_type3A_631, %cond3A_632 : i32
        scf.if %cond3A_633 {
          "tpu.trace_start"() <{level = 10 : i32, message = "ep_copy_out"}> : () -> ()
          %rem3A_751 = arith.constant 2 : i32
          %rem3A_752 = arith.remui %scan3A_409, %rem3A_751 : i32
          %mul3A_753 = arith.constant 8 : i32
          %mul3A_754 = arith.muli %mul3A_753, %add3A_416 : i32
          %dma_start3A_755 = arith.constant 0 : i32
          %dma_start3A_756 = arith.constant 0 : i32
          %dma_start3A_757 = tpu.memref_slice %run_scoped3A_204[%rem3A_752, %dma_start3A_755, %dma_start3A_756] : memref<2x8x1200xf32, #tpu.memory_space<vmem>> -> memref<1x8x1200xf32, #tpu.memory_space<vmem>>
          %dma_start3A_758 = tpu.memref_squeeze %dma_start3A_757 : memref<1x8x1200xf32, #tpu.memory_space<vmem>> -> memref<8x1200xf32, #tpu.memory_space<vmem>>
          %dma_start3A_759 = arith.constant 0 : i32
          %dma_start3A_760 = tpu.memref_slice %arg7[%mul3A_754, %dma_start3A_759] : memref<16384x1200xf32, #tpu.memory_space<hbm>> -> memref<8x1200xf32, #tpu.memory_space<hbm>>
          %dma_start3A_761 = tpu.memref_slice %run_scoped3A_205[%rem3A_752] : memref<2x!tpu.dma_semaphore, #tpu.memory_space<semaphore_mem>> -> memref<1x!tpu.dma_semaphore, #tpu.memory_space<semaphore_mem>>
          %dma_start3A_762 = tpu.memref_squeeze %dma_start3A_761 : memref<1x!tpu.dma_semaphore, #tpu.memory_space<semaphore_mem>> -> memref<!tpu.dma_semaphore, #tpu.memory_space<semaphore_mem>>
          %dma_start3A_763 = arith.constant 0 : i32
          %dma_start3A_764 = tpu.memref_slice %arg7[%mul3A_754, %dma_start3A_763] : memref<16384x1200xf32, #tpu.memory_space<hbm>> -> memref<8x1200xf32, #tpu.memory_space<hbm>>
          %dma_start3A_765 = arith.constant 0 : i32
          %dma_start3A_766 = arith.constant 0 : i32
          %dma_start3A_767 = tpu.memref_slice %run_scoped3A_204[%rem3A_752, %dma_start3A_765, %dma_start3A_766] : memref<2x8x1200xf32, #tpu.memory_space<vmem>> -> memref<1x8x1200xf32, #tpu.memory_space<vmem>>
          %dma_start3A_768 = tpu.memref_squeeze %dma_start3A_767 : memref<1x8x1200xf32, #tpu.memory_space<vmem>> -> memref<8x1200xf32, #tpu.memory_space<vmem>>
          tpu.enqueue_dma source(%dma_start3A_768 : memref<8x1200xf32, #tpu.memory_space<vmem>>) target(%dma_start3A_764 : memref<8x1200xf32, #tpu.memory_space<hbm>>) target_semaphore(%dma_start3A_762 : memref<!tpu.dma_semaphore, #tpu.memory_space<semaphore_mem>>)
          "tpu.trace_stop"() : () -> ()
        } else {
        }
        %and3A_634 = arith.constant true
        %and3A_635 = arith.andi %or3A_630, %and3A_634 : i1
        %add3A_636 = arith.constant 1 : i32
        %add3A_637 = arith.addi %scan3A_409, %add3A_636 : i32
        %select_n3A_638 = arith.select %and3A_635, %add3A_637, %scan3A_409 : i32
        %ne3A_639 = arith.cmpi ne, %add3A_416, %add3A_425 : i32
        %or3A_640 = arith.constant false
        %or3A_641 = arith.ori %or3A_640, %ne3A_639 : i1
        %or3A_642 = arith.constant false
        %or3A_643 = arith.ori %or3A_641, %or3A_642 : i1
        %not3A_644 = arith.constant true
        %not3A_645 = arith.xori %eq3A_413, %not3A_644 : i1
        %and3A_646 = arith.andi %or3A_643, %not3A_645 : i1
        %convert_element_type3A_647 = arith.extui %and3A_646 : i1 to i32
        %cond3A_648 = arith.constant 0 : i32
        %cond3A_649 = arith.cmpi ne, %convert_element_type3A_647, %cond3A_648 : i32
        scf.if %cond3A_649 {
        } else {
        }
        %and3A_650 = arith.constant false
        %and3A_651 = arith.andi %and3A_646, %and3A_650 : i1
        %ne3A_652 = arith.cmpi ne, %add3A_416, %add3A_425 : i32
        %or3A_653 = arith.constant false
        %or3A_654 = arith.ori %or3A_653, %ne3A_652 : i1
        %or3A_655 = arith.constant false
        %or3A_656 = arith.ori %or3A_654, %or3A_655 : i1
        %not3A_657 = arith.constant true
        %not3A_658 = arith.xori %eq3A_413, %not3A_657 : i1
        %and3A_659 = arith.andi %or3A_656, %not3A_658 : i1
        %convert_element_type3A_660 = arith.extui %and3A_659 : i1 to i32
        %cond3A_661 = arith.constant 0 : i32
        %cond3A_662 = arith.cmpi ne, %convert_element_type3A_660, %cond3A_661 : i32
        scf.if %cond3A_662 {
        } else {
        }
        %and3A_663 = arith.constant false
        %and3A_664 = arith.andi %and3A_659, %and3A_663 : i1
        %ne3A_665 = arith.cmpi ne, %add3A_416, %add3A_425 : i32
        %or3A_666 = arith.constant false
        %or3A_667 = arith.ori %or3A_666, %ne3A_665 : i1
        %or3A_668 = arith.constant false
        %or3A_669 = arith.ori %or3A_667, %or3A_668 : i1
        %not3A_670 = arith.constant true
        %not3A_671 = arith.xori %eq3A_413, %not3A_670 : i1
        %and3A_672 = arith.andi %or3A_669, %not3A_671 : i1
        %convert_element_type3A_673 = arith.extui %and3A_672 : i1 to i32
        %cond3A_674 = arith.constant 0 : i32
        %cond3A_675 = arith.cmpi ne, %convert_element_type3A_673, %cond3A_674 : i32
        scf.if %cond3A_675 {
        } else {
        }
        %and3A_676 = arith.constant false
        %and3A_677 = arith.andi %and3A_672, %and3A_676 : i1
        %ne3A_678 = arith.cmpi ne, %add3A_416, %add3A_425 : i32
        %or3A_679 = arith.constant false
        %or3A_680 = arith.ori %or3A_679, %ne3A_678 : i1
        %or3A_681 = arith.constant false
        %or3A_682 = arith.ori %or3A_680, %or3A_681 : i1
        %not3A_683 = arith.constant true
        %not3A_684 = arith.xori %eq3A_413, %not3A_683 : i1
        %and3A_685 = arith.andi %or3A_682, %not3A_684 : i1
        %convert_element_type3A_686 = arith.extui %and3A_685 : i1 to i32
        %cond3A_687 = arith.constant 0 : i32
        %cond3A_688 = arith.cmpi ne, %convert_element_type3A_686, %cond3A_687 : i32
        scf.if %cond3A_688 {
        } else {
        }
        %and3A_689 = arith.constant false
        %and3A_690 = arith.andi %and3A_685, %and3A_689 : i1
        %ne3A_691 = arith.cmpi ne, %add3A_416, %add3A_425 : i32
        %or3A_692 = arith.constant false
        %or3A_693 = arith.ori %or3A_692, %ne3A_691 : i1
        %or3A_694 = arith.constant false
        %or3A_695 = arith.ori %or3A_693, %or3A_694 : i1
        %not3A_696 = arith.constant true
        %not3A_697 = arith.xori %eq3A_413, %not3A_696 : i1
        %and3A_698 = arith.andi %or3A_695, %not3A_697 : i1
        %convert_element_type3A_699 = arith.extui %and3A_698 : i1 to i32
        %cond3A_700 = arith.constant 0 : i32
        %cond3A_701 = arith.cmpi ne, %convert_element_type3A_699, %cond3A_700 : i32
        scf.if %cond3A_701 {
          "tpu.trace_start"() <{level = 10 : i32, message = "ep_wait_out"}> : () -> ()
          %rem3A_751 = arith.constant 2 : i32
          %rem3A_752 = arith.remui %scan3A_410, %rem3A_751 : i32
          %mul3A_753 = arith.constant 8 : i32
          %mul3A_754 = arith.muli %mul3A_753, %add3A_425 : i32
          %dma_wait3A_755 = arith.constant 0 : i32
          %dma_wait3A_756 = arith.constant 0 : i32
          %dma_wait3A_757 = tpu.memref_slice %run_scoped3A_204[%rem3A_752, %dma_wait3A_755, %dma_wait3A_756] : memref<2x8x1200xf32, #tpu.memory_space<vmem>> -> memref<1x8x1200xf32, #tpu.memory_space<vmem>>
          %dma_wait3A_758 = tpu.memref_squeeze %dma_wait3A_757 : memref<1x8x1200xf32, #tpu.memory_space<vmem>> -> memref<8x1200xf32, #tpu.memory_space<vmem>>
          %dma_wait3A_759 = arith.constant 0 : i32
          %dma_wait3A_760 = tpu.memref_slice %arg7[%mul3A_754, %dma_wait3A_759] : memref<16384x1200xf32, #tpu.memory_space<hbm>> -> memref<8x1200xf32, #tpu.memory_space<hbm>>
          %dma_wait3A_761 = tpu.memref_slice %run_scoped3A_205[%rem3A_752] : memref<2x!tpu.dma_semaphore, #tpu.memory_space<semaphore_mem>> -> memref<1x!tpu.dma_semaphore, #tpu.memory_space<semaphore_mem>>
          %dma_wait3A_762 = tpu.memref_squeeze %dma_wait3A_761 : memref<1x!tpu.dma_semaphore, #tpu.memory_space<semaphore_mem>> -> memref<!tpu.dma_semaphore, #tpu.memory_space<semaphore_mem>>
          %dma_wait3A_763 = arith.constant 0 : i32
          %dma_wait3A_764 = tpu.memref_slice %arg7[%mul3A_754, %dma_wait3A_763] : memref<16384x1200xf32, #tpu.memory_space<hbm>> -> memref<8x1200xf32, #tpu.memory_space<hbm>>
          %dma_wait3A_765 = arith.constant 0 : i32
          %dma_wait3A_766 = arith.constant 0 : i32
          %dma_wait3A_767 = tpu.memref_slice %run_scoped3A_204[%rem3A_752, %dma_wait3A_765, %dma_wait3A_766] : memref<2x8x1200xf32, #tpu.memory_space<vmem>> -> memref<1x8x1200xf32, #tpu.memory_space<vmem>>
          %dma_wait3A_768 = tpu.memref_squeeze %dma_wait3A_767 : memref<1x8x1200xf32, #tpu.memory_space<vmem>> -> memref<8x1200xf32, #tpu.memory_space<vmem>>
          tpu.wait_dma2 semaphore(%dma_wait3A_762 : memref<!tpu.dma_semaphore, #tpu.memory_space<semaphore_mem>>) src(%dma_wait3A_768 : memref<8x1200xf32, #tpu.memory_space<vmem>>) dst(%dma_wait3A_764 : memref<8x1200xf32, #tpu.memory_space<hbm>>)
          "tpu.trace_stop"() : () -> ()
        } else {
        }
        %and3A_702 = arith.constant true
        %and3A_703 = arith.andi %and3A_698, %and3A_702 : i1
        %add3A_704 = arith.constant 1 : i32
        %add3A_705 = arith.addi %scan3A_410, %add3A_704 : i32
        %select_n3A_706 = arith.select %and3A_703, %add3A_705, %scan3A_410 : i32
        %ne3A_707 = arith.cmpi ne, %add3A_416, %add3A_434 : i32
        %or3A_708 = arith.constant false
        %or3A_709 = arith.ori %or3A_708, %ne3A_707 : i1
        %or3A_710 = arith.constant false
        %or3A_711 = arith.ori %or3A_709, %or3A_710 : i1
        %or3A_712 = arith.ori %or3A_711, %eq3A_415 : i1
        %add3A_713 = arith.constant 1 : i32
        %add3A_714 = arith.addi %scan3A_402, %add3A_713 : i32
        %select_n3A_715 = arith.select %or3A_712, %add3A_714, %scan3A_402 : i32
        %ne3A_716 = arith.cmpi ne, %add3A_416, %add3A_434 : i32
        %or3A_717 = arith.constant false
        %or3A_718 = arith.ori %or3A_717, %ne3A_716 : i1
        %or3A_719 = arith.constant false
        %or3A_720 = arith.ori %or3A_718, %or3A_719 : i1
        %or3A_721 = arith.ori %or3A_720, %eq3A_415 : i1
        %add3A_722 = arith.constant 1 : i32
        %add3A_723 = arith.addi %scan3A_404, %add3A_722 : i32
        %select_n3A_724 = arith.select %or3A_721, %add3A_723, %scan3A_404 : i32
        %ne3A_725 = arith.cmpi ne, %add3A_416, %add3A_434 : i32
        %or3A_726 = arith.constant false
        %or3A_727 = arith.ori %or3A_726, %ne3A_725 : i1
        %or3A_728 = arith.constant false
        %or3A_729 = arith.ori %or3A_727, %or3A_728 : i1
        %or3A_730 = arith.ori %or3A_729, %eq3A_415 : i1
        %add3A_731 = arith.constant 1 : i32
        %add3A_732 = arith.addi %scan3A_406, %add3A_731 : i32
        %select_n3A_733 = arith.select %or3A_730, %add3A_732, %scan3A_406 : i32
        %ne3A_734 = arith.cmpi ne, %add3A_416, %add3A_434 : i32
        %or3A_735 = arith.constant false
        %or3A_736 = arith.ori %or3A_735, %ne3A_734 : i1
        %or3A_737 = arith.constant false
        %or3A_738 = arith.ori %or3A_736, %or3A_737 : i1
        %or3A_739 = arith.ori %or3A_738, %eq3A_415 : i1
        %add3A_740 = arith.constant 1 : i32
        %add3A_741 = arith.addi %scan3A_408, %add3A_740 : i32
        %select_n3A_742 = arith.select %or3A_739, %add3A_741, %scan3A_408 : i32
        %add3A_743 = arith.constant 1 : i32
        %add3A_744 = arith.addi %scan3A_411, %add3A_743 : i32
        %select_n3A_745 = arith.constant true
        %select_n3A_746 = arith.select %select_n3A_745, %add3A_744, %scan3A_411 : i32
        %eq3A_747 = arith.constant 64 : i32
        %eq3A_748 = arith.cmpi eq, %select_n3A_746, %eq3A_747 : i32
        %select_n3A_749 = arith.constant 0 : i32
        %select_n3A_750 = arith.select %eq3A_748, %select_n3A_749, %select_n3A_746 : i32
        scf.yield %select_n3A_456, %select_n3A_715, %select_n3A_474, %select_n3A_724, %select_n3A_492, %select_n3A_733, %select_n3A_510, %select_n3A_742, %select_n3A_638, %select_n3A_706, %select_n3A_750 : i32, i32, i32, i32, i32, i32, i32, i32, i32, i32, i32
      }
      %scan3A_346 = arith.constant 64 : i32
      %sub3A_347 = arith.constant 1 : i32
      %sub3A_348 = arith.subi %scan3A_345#10, %sub3A_347 : i32
      %select_n3A_349 = arith.constant true
      %select_n3A_350 = arith.select %select_n3A_349, %sub3A_348, %scan3A_345#10 : i32
      %eq3A_351 = arith.constant -1 : i32
      %eq3A_352 = arith.cmpi eq, %select_n3A_350, %eq3A_351 : i32
      %select_n3A_353 = arith.constant 63 : i32
      %select_n3A_354 = arith.select %eq3A_352, %select_n3A_353, %select_n3A_350 : i32
      %add3A_355 = arith.addi %select_n3A_354, %mul3A_196 : i32
      %sub3A_356 = arith.constant 1 : i32
      %sub3A_357 = arith.subi %select_n3A_354, %sub3A_356 : i32
      %select_n3A_358 = arith.constant true
      %select_n3A_359 = arith.select %select_n3A_358, %sub3A_357, %select_n3A_354 : i32
      %eq3A_360 = arith.constant -1 : i32
      %eq3A_361 = arith.cmpi eq, %select_n3A_359, %eq3A_360 : i32
      %select_n3A_362 = arith.constant 63 : i32
      %select_n3A_363 = arith.select %eq3A_361, %select_n3A_362, %select_n3A_359 : i32
      %add3A_364 = arith.addi %select_n3A_363, %mul3A_196 : i32
      %add3A_365 = arith.constant 1 : i32
      %add3A_366 = arith.addi %select_n3A_354, %add3A_365 : i32
      %select_n3A_367 = arith.constant true
      %select_n3A_368 = arith.select %select_n3A_367, %add3A_366, %select_n3A_354 : i32
      %eq3A_369 = arith.constant 64 : i32
      %eq3A_370 = arith.cmpi eq, %select_n3A_368, %eq3A_369 : i32
      %select_n3A_371 = arith.constant 0 : i32
      %select_n3A_372 = arith.select %eq3A_370, %select_n3A_371, %select_n3A_368 : i32
      %add3A_373 = arith.addi %select_n3A_372, %mul3A_196 : i32
      %add3A_374 = arith.constant 1 : i32
      %add3A_375 = arith.addi %select_n3A_372, %add3A_374 : i32
      %select_n3A_376 = arith.constant true
      %select_n3A_377 = arith.select %select_n3A_376, %add3A_375, %select_n3A_372 : i32
      %eq3A_378 = arith.constant 64 : i32
      %eq3A_379 = arith.cmpi eq, %select_n3A_377, %eq3A_378 : i32
      %select_n3A_380 = arith.constant 0 : i32
      %select_n3A_381 = arith.select %eq3A_379, %select_n3A_380, %select_n3A_377 : i32
      %add3A_382 = arith.addi %select_n3A_381, %mul3A_196 : i32
      "tpu.trace_start"() <{level = 10 : i32, message = "ep_finalize"}> : () -> ()
      %rem3A_383 = arith.constant 2 : i32
      %rem3A_384 = arith.remui %scan3A_345#9, %rem3A_383 : i32
      %mul3A_385 = arith.constant 8 : i32
      %mul3A_386 = arith.muli %mul3A_385, %add3A_355 : i32
      %dma_wait3A = arith.constant 0 : i32
      %dma_wait3A_387 = arith.constant 0 : i32
      %dma_wait3A_388 = tpu.memref_slice %run_scoped3A_204[%rem3A_384, %dma_wait3A, %dma_wait3A_387] : memref<2x8x1200xf32, #tpu.memory_space<vmem>> -> memref<1x8x1200xf32, #tpu.memory_space<vmem>>
      %dma_wait3A_389 = tpu.memref_squeeze %dma_wait3A_388 : memref<1x8x1200xf32, #tpu.memory_space<vmem>> -> memref<8x1200xf32, #tpu.memory_space<vmem>>
      %dma_wait3A_390 = arith.constant 0 : i32
      %dma_wait3A_391 = tpu.memref_slice %arg7[%mul3A_386, %dma_wait3A_390] : memref<16384x1200xf32, #tpu.memory_space<hbm>> -> memref<8x1200xf32, #tpu.memory_space<hbm>>
      %dma_wait3A_392 = tpu.memref_slice %run_scoped3A_205[%rem3A_384] : memref<2x!tpu.dma_semaphore, #tpu.memory_space<semaphore_mem>> -> memref<1x!tpu.dma_semaphore, #tpu.memory_space<semaphore_mem>>
      %dma_wait3A_393 = tpu.memref_squeeze %dma_wait3A_392 : memref<1x!tpu.dma_semaphore, #tpu.memory_space<semaphore_mem>> -> memref<!tpu.dma_semaphore, #tpu.memory_space<semaphore_mem>>
      %dma_wait3A_394 = arith.constant 0 : i32
      %dma_wait3A_395 = tpu.memref_slice %arg7[%mul3A_386, %dma_wait3A_394] : memref<16384x1200xf32, #tpu.memory_space<hbm>> -> memref<8x1200xf32, #tpu.memory_space<hbm>>
      %dma_wait3A_396 = arith.constant 0 : i32
      %dma_wait3A_397 = arith.constant 0 : i32
      %dma_wait3A_398 = tpu.memref_slice %run_scoped3A_204[%rem3A_384, %dma_wait3A_396, %dma_wait3A_397] : memref<2x8x1200xf32, #tpu.memory_space<vmem>> -> memref<1x8x1200xf32, #tpu.memory_space<vmem>>
      %dma_wait3A_399 = tpu.memref_squeeze %dma_wait3A_398 : memref<1x8x1200xf32, #tpu.memory_space<vmem>> -> memref<8x1200xf32, #tpu.memory_space<vmem>>
      tpu.wait_dma2 semaphore(%dma_wait3A_393 : memref<!tpu.dma_semaphore, #tpu.memory_space<semaphore_mem>>) src(%dma_wait3A_399 : memref<8x1200xf32, #tpu.memory_space<vmem>>) dst(%dma_wait3A_395 : memref<8x1200xf32, #tpu.memory_space<hbm>>)
      "tpu.trace_stop"() : () -> ()
      tpu.yield
    }) : () -> ()
    return
  }
}

</mosaic_0001>

<sc_bundles>
// kernel: kernel.3.cloned.1.call-start
scs
__scs_entry_jumppad:
0x0: {  	(pc) =	sbr.rel $0x88, $3  }
0x1: {  	(tag) =	ssettag $0x0;
	lr =	simm.s32 $0x1  }
0x2: {  	[smem:$0x3F9C] =	sst lr;
	_ =	strace $0xD0000000  }
0x3: {  	_ = 	snop  }
0x4: {  	_ = 	snop  }
0x5: {  	_ = 	snop  }
0x6: {  	_ = 	snop  }
0x7: {  	_ = 	snop  }
__scs_overlays_trampoline_lowered:
0x8: {  	[smem:$0x3FAB] =	sst s0  }
0x9: {  	[smem:$0x3FAC] =	sst s1  }
0xa: {  	[smem:$0x3FAD] =	sst s2  }
0xb: {  	[smem:$0x3FAE] =	sst s3  }
0xc: {  	[smem:$0x3FAF] =	sst s4  }
0xd: {  	[smem:$0x3FB0] =	sst s5  }
0xe: {  	[smem:$0x3FB1] =	sst s6  }
0xf: {  	[smem:$0x3FB2] =	sst s7  }
0x10: {  	[smem:$0x3FB3] =	sst s8  }
0x11: {  	[smem:$0x3FB4] =	sst s9;
	s0 =	simm.s32 @!p0 $0x0  }
0x12: {  	s1 =	sld [smem:$0x3F9A];
	s0 =	simm.s32 @p0 $0x1  }
0x13: {  	[smem:$0x3FB5] =	sst s0;
	s0 =	simm.s32 @!p1 $0x0  }
0x14: {  	s2 =	sld [smem:$0x3F99];
	s0 =	simm.s32 @p1 $0x1  }
0x15: {  	[smem:$0x3FB6] =	sst s0;
	s0 =	simm.s32 @!p2 $0x0  }
0x16: {  	s3 =	sld [smem:$0x3FDB];
	s0 =	simm.s32 @p2 $0x1  }
0x17: {  	s4 =	simm.s32 $0x1BF5;
	[smem:$0x3FB8] =	sst s0  }
0x18: {  	s0 =	sld [smem:$0x3F9B];
	_ =	swait.ge [sflag:s4], $0x0  }
0x19: {  	s7 =	sld [smem:$0x3F9C]  }
0x1a: {  	s8 =	sadd.s32 $0xFFFFE003, lr  }
0x1b: {  	s9 =	sadd.s32 $0xFFFFFEF7, lr;
	s5 =	simm.s32 $0xFFFFFFFF;
	p2 =	slt.u32 s8, $0xFFFFF086  }
0x1c: {  	p1 =	slt.u32 s9, $0xF7A;
	s5 =	simm.s32 @!p2 $0x0  }
0x1d: {  	s5 =	simm.s32 @p1 $0x1;
	p0 =	seq.s32 s7, s2  }
0x1e: {  	s7 =	smul.u32 @!p0 $0xF7A, s2;
	p2 =	seq.s32 @!p0 s5, $0x0  }
0x1f: {  	s9 =	smul.u32 $0xF7A, s1;
	s8 =	simm.s32 @!p0 $0x1BF5;
	p2 =	por !p2, p0  }
0x20: {  	[sflag:s8] =	ssyncset.s32 @!p0 $0xFFFFF086;
	s6 =	sadd.s32 @!p0 s3, s7;
	s7 =	simm.s32 @!p0 $0x108  }
0x21: {  	s3 =	sadd.s32 s3, s9;
	s6 =	sadd.s32 @!p0 $0x88, s6;
	s7 =	simm.s32 @p2 $0x1082  }
0x22: {  	[simem:s7], [sflag:s8] =	dma.local @!p0 [hbm:s6], $0xF7A  }
0x23: {  	s9 =	sor.u32 $0xD0000000, s2;
	s6 =	simm.s32 $0x108;
	_ =	swait.ge @!p0 [sflag:s8], $0x0  }
0x24: {  	s3 =	sadd.s32 $0x88, s3;
	s6 =	simm.s32 @!p1 $0x1082;
	[sflag:s4] =	ssyncset.s32 $0xFFFFF086  }
0x25: {  	[simem:s6], [sflag:s4] =	dma.local [hbm:s3], $0xF7A  }
0x26: {  	[smem:$0x3F9C] =	sst s1;
	(tag) =	ssettag s2;
	_ =	strace s9  }
0x27: {  	s1 =	sld [smem:$0x3FAC]  }
0x28: {  	s2 =	sld [smem:$0x3FAD]  }
0x29: {  	s4 =	sld [smem:$0x3FAF]  }
0x2a: {  	p0 =	seq.s32 s5, $0x0;
	s5 =	sld [smem:$0x3FB0]  }
0x2b: {  	s6 =	sld [smem:$0x3FB1]  }
0x2c: {  	s7 =	sld [smem:$0x3FB2]  }
0x2d: {  	s3 =	simm.s32 $0x108;
	s8 =	sld [smem:$0x3FB3]  }
0x2e: {  	s3 =	simm.s32 @!p0 $0x1082;
	s9 =	sld [smem:$0x3FB4]  }
0x2f: {  	lr =	sadd.s32 s0, s3;
	s0 =	sld [smem:$0x3FAB]  }
0x30: {  	s3 =	sld [smem:$0x3FAE]  }
0x31: {  	[smem:$0x3FB7] =	sst s10  }
0x32: {  	s10 =	sld [smem:$0x3FB5];
	_ =	sdelay $0x3  }
0x33: {  	p0 =	seq.s32 s10, $0x1;
	s10 =	sld [smem:$0x3FB7];
	_ =	sdelay $0x3  }
0x34: {  	[smem:$0x3FB7] =	sst s10  }
0x35: {  	s10 =	sld [smem:$0x3FB6];
	_ =	sdelay $0x3  }
0x36: {  	p1 =	seq.s32 s10, $0x1;
	s10 =	sld [smem:$0x3FB7];
	_ =	sdelay $0x3  }
0x37: {  	[smem:$0x3FB7] =	sst s10  }
0x38: {  	s10 =	sld [smem:$0x3FB8]  }
0x39: {  	_ = 	snop;
	(pc) =	sbr.ind lr, $3  }
0x3a: {  	_ = 	snop  }
0x3b: {  	_ = 	snop  }
0x3c: {  	p2 =	seq.s32 s10, $0x1;
	s10 =	sld [smem:$0x3FB7]  }
0x3d: {  	_ =	shalt  }
0x3e: {  	_ =	shalt  }
0x3f: {  	_ =	shalt  }
0x40: {  	_ =	shalt  }
0x41: {  	_ =	shalt  }
0x42: {  	_ =	shalt  }
0x43: {  	_ =	shalt  }
0x44: {  	_ =	shalt  }
0x45: {  	_ =	shalt  }
0x46: {  	_ =	shalt  }
0x47: {  	_ =	shalt  }
0x48: {  	_ =	shalt  }
0x49: {  	_ =	shalt  }
0x4a: {  	_ =	shalt  }
0x4b: {  	_ =	shalt  }
0x4c: {  	_ =	shalt  }
0x4d: {  	_ =	shalt  }
0x4e: {  	_ =	shalt  }
0x4f: {  	_ =	shalt  }
0x50: {  	_ =	shalt  }
0x51: {  	_ =	shalt  }
0x52: {  	_ =	shalt  }
0x53: {  	_ =	shalt  }
0x54: {  	_ =	shalt  }
0x55: {  	_ =	shalt  }
0x56: {  	_ =	shalt  }
0x57: {  	_ =	shalt  }
0x58: {  	_ =	shalt  }
0x59: {  	_ =	shalt  }
0x5a: {  	_ =	shalt  }
0x5b: {  	_ =	shalt  }
0x5c: {  	_ =	shalt  }
0x5d: {  	_ =	shalt  }
0x5e: {  	_ =	shalt  }
0x5f: {  	_ =	shalt  }
0x60: {  	_ =	shalt  }
0x61: {  	_ =	shalt  }
0x62: {  	_ =	shalt  }
0x63: {  	_ =	shalt  }
0x64: {  	_ =	shalt  }
0x65: {  	_ =	shalt  }
0x66: {  	_ =	shalt  }
0x67: {  	_ =	shalt  }
0x68: {  	_ =	shalt  }
0x69: {  	_ =	shalt  }
0x6a: {  	_ =	shalt  }
0x6b: {  	_ =	shalt  }
0x6c: {  	_ =	shalt  }
0x6d: {  	_ =	shalt  }
0x6e: {  	_ =	shalt  }
0x6f: {  	_ =	shalt  }
0x70: {  	_ =	shalt  }
0x71: {  	_ =	shalt  }
0x72: {  	_ =	shalt  }
0x73: {  	_ =	shalt  }
0x74: {  	_ =	shalt  }
0x75: {  	_ =	shalt  }
0x76: {  	_ =	shalt  }
0x77: {  	_ =	shalt  }
0x78: {  	_ =	shalt  }
0x79: {  	_ =	shalt  }
0x7a: {  	_ =	shalt  }
0x7b: {  	_ =	shalt  }
0x7c: {  	_ =	shalt  }
0x7d: {  	_ =	shalt  }
0x7e: {  	_ =	shalt  }
0x7f: {  	_ =	shalt  }
0x80: {  	_ =	shalt  }
0x81: {  	_ =	shalt  }
0x82: {  	_ =	shalt  }
0x83: {  	_ =	shalt  }
0x84: {  	_ =	shalt  }
0x85: {  	_ =	shalt  }
0x86: {  	_ =	shalt  }
0x87: {  	_ =	shalt  }
.Lfunc_end0:
.L_simem_size_0:
called_computation.2_lowered:
.L_overlay_start_0:
0x88: {  	s2 =	sld [smem:$0x3FD9]  }
0x89: {  	s3 =	sld [smem:$0x3FFE];
	_ =	sdelay $0x1  }
0x8a: {  	s1 =	srdreg.scid  }
0x8b: {  	s0 =	sand.u32 $0x1, s1  }
0x8c: {  	s17 =	sshll.u32 s0, $0xA;
	s2 =	sadd.s32 s3, s2  }
0x8d: {  	s2 =	sadd.s32 s2, s17  }
0x8e: {  	[smem:$0x3FC3] =	sst s2  }
0x8f: {  	_ = 	snop  }
0x90: {  	s2 =	sld [smem:$0x3FD0];
	(tm) =	ssettm $0x1  }
0x91: {  	s18 =	sld [smem:$0x3FFB];
	_ =	sdelay $0x3  }
0x92: {  	_ =	strace s18  }
0x93: {  	s3 =	sld [smem:$0x3FFC];
	_ =	sdelay $0x3  }
0x94: {  	_ =	strace s3  }
0x95: {  	s3 =	sld [smem:$0x3FFD];
	_ =	sdelay $0x3  }
0x96: {  	_ =	strace s3  }
0x97: {  	_ =	strace $0x8FFFFFFF  }
0x98: {  	s19 =	sld [smem:$0x3FDB];
	_ =	sdelay $0x1  }
0x99: {  	s4 =	simm.s32 $_scs_section_size  }
0x9a: {  	s5 =	simm.s32 $_size__tile_overlayer_lowered;
	s6 =	simm.s32 $_tile_overlayer_lowered  }
0x9b: {  	s22 =	simm.s32 $0x1BFF;
	s21 =	sshll.u32 s6, $0x1;
	s3 =	sadd.s32 s4, s19  }
0x9c: {  	s7 =	simm.s32 $0x0;
	s20 =	sshll.u32 s5, $0x1;
	s5 =	sadd.s32 s21, s3  }
0x9d: {  	[timem:s7], [sflag:s22] =	dma.local [hbm:s5], s20  }
0x9e: {  	_ =	swait.ge [sflag:s22], s20  }
0x9f: {  	s4 =	ssub.s32 $0x0, s20;
	[sflag:s22] =	ssyncset.done $0x0  }
0xa0: {  	[sflag:s22] =	ssyncadd.s32 s4;
	_ =	sdelay $0x1  }
0xa1: {  	s23 =	simm.s32 $0x1B8B  }
0xa2: {  	_ =	swait.ge [sflag:s23], $0x1  }
0xa3: {  	[sflag:s23] =	ssyncset.done $0x0  }
0xa4: {  	s25 =	simm.s32 $0x1B8E;
	s24 =	sld [smem:$0x3FFE];
	[sflag:s23] =	ssyncadd.s32 $0xFFFFFFFF  }
0xa5: {  	s26 =	simm.s32 $execute0_lowered;
	[smem:$0x3FD2] =	sst s25  }
0xa6: {  	s5 =	sshll.u32 s26, $0x1;
	_ =	strace $0x80000049;
	[dreg:$0x1] =	wrdreg $0xFFFFFFFF  }
0xa7: {  	s28 =	simm.s32 $_size_execute0_lowered;
	s3 =	sadd.s32 s3, s5;
	[dreg:$0x0] =	wrdreg $0x0  }
0xa8: {  	s5 =	sshll.u32 s28, $0x1;
	[dreg:$0x2] =	wrdreg s3  }
0xa9: {  	[dreg:$0x3] =	wrdreg s5  }
0xaa: {  	[dreg:$0x4] =	wrdreg $0xC0  }
0xab: {  	_ =	task [dreg:s7], $0x5FFFF  }
0xac: {  	[dreg:$0x1] =	wrdreg $0xFFFFFFFF  }
0xad: {  	[dreg:$0x0] =	wrdreg $0x60  }
0xae: {  	[dreg:$0x2] =	wrdreg s24  }
0xaf: {  	[dreg:$0x3] =	wrdreg s2  }
0xb0: {  	[dreg:$0x4] =	wrdreg $0x9  }
0xb1: {  	_ =	task.clear_ibuf [dreg:s7], $0x5FFFF;
	_ =	strace $0x90000049  }
0xb2: {  	s29 =	simm.s32 $0x9;
	_ =	strace $0x80000058  }
0xb3: {  	_ =	swait.ge [sflag:s29], $0x1  }
0xb4: {  	[sflag:s29] =	ssyncadd.s32 $0xFFFFFFFF  }
0xb5: {  	_ =	strace $0x90000058  }
0xb6: {  	_ =	sfence  }
0xb7: {  	s30 =	sld [smem:$0x0];
	_ =	sdelay $0x2  }
0xb8: {  	s31 =	sshll.u32 s1, $0xD;
	s1 =	sshrl.u32 s1, $0x2  }
0xb9: {  	s3 =	sand.u32 $0x4000, s31;
	s1 =	sadd.s32 s1, s30  }
0xba: {  	s0 =	sor.u32 s3, s0;
	s1 =	sshll.u32 s1, $0x11  }
0xbb: {  	s0 =	sor.u32 s1, s0  }
0xbc: {  	s0 =	sadd.s32 $0x8F2B, s0  }
0xbd: {  	[sflag:s0] =	ssyncadd.remote.s32 $0x1  }
0xbe: {  	_ =	sfence.sel $0xFFFF  }
0xbf: {  	[dreg:$0x0] =	wrdreg $0xFFFFFFFF;
	(pc) =	sbr.abs _section_cstart, $3  }
0xc0: {  	[dreg:$0x1] =	wrdreg $0xFFFFFFFF  }
0xc1: {  	_ =	task.clear_ibuf [dreg:s7], $0x2FFFF;
	_ =	strace $0x9FFFFFFF  }
0xc2: {  	(tm) =	ssettm $0x7FFFFFFF  }
0xc3: {  	_ =	shalt  }
tec
execute0_lowered:
.L_overlay_start_1:
0x0: {  	(tag) =	ssettag $0x1  }
0x1: {  	v8 =	vlaneseq.u32;
	v2 =	vimm.s32 $0x10543210;
	v1 =	vimm.s32 $0x0  }
0x2: {  	v4 =	vimm.s32 $0x32105432;
	v5 =	vimm.s32 $0x54321054;
	vm0 =	vcmask $0x1700  }
0x3: {  	vm1 =	vcmask $0x300;
	vm2 =	vcmask $0x2F18;
	v3 =	vunpack.c.l.s4.s8 v2  }
0x4: {  	vm3 =	vcmask $0x3720;
	v10 =	vimm.s32 $0x7;
	v4 =	vunpack.c.l.s4.s8 v4  }
0x5: {  	s0 =	rddreg [dreg:$0x0];
	s2 =	simm.s32 $0x0;
	v0 =	vshrl.u32 v8, $0x3;
	v6 =	vunpack.c.0.s8.s32 v3;
	v3 =	vunpack.c.l.s4.s8 v5  }
0x6: {  	v2 =	vand.u32 $0x7, v8;
	[smem:$0x7FF] =	sst s2;
	v5 =	vunpack.c.0.s8.s32 v4;
	v4 =	vimm.s32 $0x1000000  }
0x7: {  	s5 =	rddreg [dreg:$0x1];
	s6 =	sadd.s32 $0x579C00, s0;
	s7 =	sadd.s32 $0x879C00, s0;
	v4 =	vsel vm1, $0x1, v4;
	vm1 =	vcmask $0x704;
	v7 =	vunpack.c.0.s8.s32 v3  }
0x8: {  	s1 =	srdreg.scid;
	s8 =	sadd.s32 $0x7F9C00, s0;
	s9 =	sadd.s32 $0x8B9C00, s0;
	v3 =	vcombine.low v6, v5;
	v9 =	vsel vm1, $0x100, v4;
	vm1 =	vcmask $0xB08  }
0x9: {  	s0 =	sadd.s32 $0x1C00, s0;
	_ =	strace $0x8000004A;
	[dreg:$0x6] =	wrdreg s9;
	v4 =	vcombine.low v7, v6;
	v6 =	vsel vm1, $0x10000, v9;
	vm1 =	vcmask $0x1310  }
0xa: {  	s1 =	sand.u32 $0x1, s1;
	v8 =	vshrl.u32 v8, $0x2;
	[dreg:$0x7] =	wrdreg s0;
	v6 =	vsel vm1, $0x1, v6;
	vm1 =	vcmask $0x1714  }
0xb: {  	s4 =	stileid.u32;
	s3 =	sshll.u32 s1, $0x4;
	[dreg:$0x3] =	wrdreg s6;
	v5 =	vcombine.low v5, v7;
	v6 =	vsel vm1, $0x100, v6;
	vm1 =	vcmask $0x1B18  }
0xc: {  	s1 =	ssub.s32 $0x2, s1;
	[dreg:$0x4] =	wrdreg s7;
	s3 =	sor.u32 s4, s3;
	v7 =	vimm.s32 $0x2;
	v6 =	vsel vm1, $0x10000, v6;
	vm1 =	vcmask $0x2320  }
0xd: {  	s29 =	sshrl.u32 s1, $0x1;
	s4 =	smul.u32 $0x14000, s3;
	s9 =	sshll.u32 s3, $0x6;
	v7 =	vsel vm0, $0x0, v7;
	v9 =	vsel vm1, $0x1, v6;
	vm1 =	vcmask $0x2724  }
0xe: {  	s30 =	smul.u32 $0x6000, s3;
	s31 =	sshll.u32 s3, $0xD;
	s3 =	sshll.u32 s3, $0xE;
	v6 =	vsel vm2, $0x1, v7;
	v7 =	vsel vm1, $0x100, v9;
	vm1 =	vcmask $0x2B28  }
0xf: {  	[dreg:$0x5] =	wrdreg s8;
	s0 =	ssub.s32 s1, s29;
	s3 =	sadd.s32 s8, s3;
	v9 =	vimm.s32 $0x3030202;
	v7 =	vsel vm1, $0x10000, v7;
	vm1 =	vcmask $0x3330  }
0x10: {  	s0 =	smax.u32 s0, $0x1;
	[dreg:$0xa] =	wrdreg s3;
	v9 =	vunpack.c.0.s8.s32 v9;
	v7 =	vsel vm1, $0x1, v7;
	vm1 =	vcmask $0x3734  }
0x11: {  	s4 =	sadd.s32 s6, s4;
	[dreg:$0xc] =	wrdreg s0;
	vm2 =	vcmask $0xF00;
	v7 =	vsel vm1, $0x100, v7;
	vm1 =	vcmask $0x3B38  }
0x12: {  	s1 =	sadd.s32 s5, s30;
	[dreg:$0x8] =	wrdreg s4;
	v9 =	vnsel vm2, $0x5, v9;
	v7 =	vsel vm1, $0x10000, v7;
	vm1 =	vcmask $0x1F10  }
0x13: {  	s4 =	sadd.s32 s7, s31;
	[dreg:$0xb] =	wrdreg s1;
	v10 =	vsel vm2, $0x5, v10;
	v9 =	vsel vm1, $0x3, v9;
	vm1 =	vcmask $0x2710  }
0x14: {  	s20 =	simm.s32 $0x80;
	s1 =	simm.s32 $0x0;
	[dreg:$0x9] =	wrdreg s4;
	vm0 =	vmor vm0, vm3;
	v9 =	vsel vm3, $0x4, v9;
	v10 =	vsel vm1, $0x6, v10  }
.LBB2_1:
0x15: {  	v11 =	vor.u32 s2, v0  }
0x16: {  	vm1 =	vlt.s32 v11, $0x1B8  }
0x17: {  	v11 =	vnsel vm1, $0x1B8, v11  }
0x18: {  	v12 =	vmulhi.u32 $0x86186187, v11;
	_ =	sdelay $0x1  }
0x19: {  	v13 =	vsub.s32 v11, v12  }
0x1a: {  	v13 =	vshrl.u32 v13, $0x1  }
0x1b: {  	v12 =	vadd.s32 v12, v13  }
0x1c: {  	v12 =	vshrl.u32 v12, $0x4  }
0x1d: {  	v13 =	vmul.u32 $0xFFFFFFEB, v12  }
0x1e: {  	v14 =	vmov s2;
	v15 =	vsub.s32 $0x0, v11  }
0x1f: {  	vm1 =	veq.s32 v14, v0;
	vm2 =	vne.s32 v13, v15  }
0x20: {  	s0 =	simm.s32 $0x2;
	vm1 =	vmand vm1, vm2  }
0x21: {  	v13 =	vor.u32 s0, v0;
	v14 =	vsel vm1, $0xFFFFFFFF, v1  }
0x22: {  	vm2 =	vlt.s32 v13, $0x1B8;
	v12 =	vadd.s32 v14, v12  }
0x23: {  	v13 =	vnsel vm2, $0x1B8, v13;
	v15 =	vmul.u32 $0xFFFFFFEB, v12  }
0x24: {  	v14 =	vmulhi.u32 $0x86186187, v13  }
0x25: {  	v12 =	vmul.u32 $0x6, v12;
	v11 =	vadd.s32 v11, v15  }
0x26: {  	[dreg:$0xd] =	wrdreg s1;
	v16 =	vsub.s32 v13, v14;
	v11 =	vmul.u32 $0x6, v11  }
0x27: {  	s30 =	rddreg [dreg:$0x6];
	s3 =	simm.s32 $0x1;
	v15 =	vshrl.u32 v16, $0x1;
	v12 =	vadd.s32 v2, v12  }
0x28: {  	[tilespmem:s2], [sflag:$0x1] =	stream.linear.gather [hbm4b:s30+s2], $0x80, $0x38;
	v14 =	vadd.s32 v14, v15;
	v15 =	vadd.s32 v2, v11;
	[tilespmem:$0xDE80] =	vst v63  }
0x29: {  	s31 =	simm.s32 $0x4;
	_ =	swait.ge [sflag:s3], $0x80;
	v14 =	vshrl.u32 v14, $0x4  }
0x2a: {  	[sflag:s3] =	ssyncset.done $0x0;
	v16 =	vor.u32 s31, v0;
	v11 =	vmul.u32 $0xFFFFFFEB, v14  }
0x2b: {  	[sflag:s3] =	ssyncadd.s32 $0xFFFFFF80;
	v18 =	vsub.s32 $0x0, v13;
	vm1 =	vlt.s32 v16, $0x1B8  }
0x2c: {  	v17 =	vmov s0;
	vm3 =	vne.s32 v11, v18;
	v11 =	vnsel vm1, $0x1B8, v16;
	v16 =	vld.idx.msk [tilespmem:v12+s2+$0x0], $0xffff  }
0x2d: {  	vm2 =	veq.s32 v17, v0;
	v15 =	vld.idx.msk [tilespmem:v15+s2+$0x0], $0xffff  }
0x2e: {  	vm1 =	vmand vm2, vm3  }
0x2f: {  	v12 =	vmulhi.u32 $0x86186187, v11;
	v17 =	vsel vm1, $0xFFFFFFFF, v1  }
0x30: {  	v14 =	vadd.s32 v17, v14  }
0x31: {  	v17 =	vsub.s32 v11, v12;
	v62 =	vmul.u32 $0xFFFFFFEB, v14  }
0x32: {  	v14 =	vmul.u32 $0x6, v14;
	vm1 =	veq.f32 v16, v16;
	vm2 =	veq.f32 v15, v15  }
0x33: {  	v13 =	vadd.s32 v13, v62;
	v15 =	vsub.f32 v16, v15;
	vm1 =	vmand vm1, vm2  }
0x34: {  	v17 =	vshrl.u32 v17, $0x1;
	v13 =	vmul.u32 $0x6, v13;
	vm1 =	vmand vm1, vm0  }
0x35: {  	v12 =	vadd.s32 v12, v17;
	v14 =	vadd.s32 v2, v14;
	v15 =	vnsel vm1, $0x0, v15  }
0x36: {  	v12 =	vshrl.u32 v12, $0x4;
	[tilespmem:s20+$0x0] =	vst v15;
	v15 =	vadd.s32 v2, v13  }
0x37: {  	s0 =	simm.s32 $0x6;
	v17 =	vmul.u32 $0xFFFFFFEB, v12  }
0x38: {  	v63 =	vor.u32 s0, v0;
	v19 =	vsub.s32 $0x0, v11;
	v16 =	vmov s31  }
0x39: {  	vm2 =	veq.s32 v16, v0;
	vm3 =	vne.s32 v17, v19;
	vm1 =	vlt.s32 v63, $0x1B8  }
0x3a: {  	s1 =	simm.s32 $0x80;
	s3 =	simm.s32 $0x8;
	v13 =	vnsel vm1, $0x1B8, v63;
	vm1 =	vmand vm2, vm3;
	v14 =	vld.idx.msk [tilespmem:v14+s2+$0x0], $0xffff  }
.LBB2_2:
0x3b: {  	p0 =	sne.s32 s3, $0x1BE;
	v16 =	vmulhi.u32 $0x86186187, v13;
	v17 =	vsel vm1, $0xFFFFFFFF, v1;
	v18 =	vld.idx.msk [tilespmem:v15+s2+$0x0], $0xffff  }
0x3c: {  	v12 =	vadd.s32 v17, v12  }
0x3d: {  	v15 =	vsub.s32 v13, v16;
	v17 =	vmul.u32 $0xFFFFFFEB, v12  }
0x3e: {  	v15 =	vshrl.u32 v15, $0x1  }
0x3f: {  	v15 =	vadd.s32 v16, v15;
	v16 =	vadd.s32 v11, v17;
	v17 =	vmul.u32 $0x6, v12;
	v11 =	vmovc v13  }
0x40: {  	v12 =	vshrl.u32 v15, $0x4;
	v13 =	vmul.u32 $0x6, v16  }
0x41: {  	vm1 =	veq.f32 v14, v14;
	vm2 =	veq.f32 v18, v18;
	v16 =	vadd.s32 v2, v17  }
.Ltmp0:
0x42: {  	vm1 =	vmand vm1, vm2;
	v15 =	vadd.s32 v2, v13;
	v13 =	vsub.f32 v14, v18;
	(pc) =	sbr.rel @p0 .LBB2_2-.Ltmp0, $4  }
0x43: {  	v17 =	vmul.u32 $0xFFFFFFEB, v12;
	v14 =	vmov s0;
	vm1 =	vmand vm1, vm0;
	s0 =	smov.u32 s3  }
0x44: {  	s1 =	sadd.s32 $0x10, s1;
	v19 =	vsub.s32 $0x0, v11;
	v18 =	vor.u32 s3, v0;
	v13 =	vnsel vm1, $0x0, v13  }
0x45: {  	vm2 =	veq.s32 v14, v0;
	vm3 =	vne.s32 v17, v19;
	vm1 =	vlt.s32 v18, $0x1B8;
	[tilespmem:s1+$0x0] =	vst v13  }
0x46: {  	s3 =	sadd.s32 $0x2, s3;
	v13 =	vnsel vm1, $0x1B8, v18;
	vm1 =	vmand vm2, vm3;
	v14 =	vld.idx.msk [tilespmem:v16+s2+$0x0], $0xffff  }
0x47: {  	_ =	sdelay $0x2  }
0x48: {  	v16 =	vsel vm1, $0xFFFFFFFF, v1;
	v17 =	vmulhi.u32 $0x86186187, v13  }
0x49: {  	v15 =	vld.idx.msk [tilespmem:v15+s2+$0x0], $0xffff;
	v12 =	vadd.s32 v16, v12  }
0x4a: {  	v16 =	vmul.u32 $0xFFFFFFEB, v12;
	v18 =	vsub.s32 v13, v17  }
0x4b: {  	v12 =	vmul.u32 $0x6, v12;
	v18 =	vshrl.u32 v18, $0x1  }
0x4c: {  	v11 =	vadd.s32 v11, v16;
	v55 =	vadd.s32 v17, v18  }
0x4d: {  	v12 =	vadd.s32 v2, v12;
	vm1 =	veq.f32 v14, v14;
	v11 =	vmul.u32 $0x6, v11  }
0x4e: {  	v16 =	vshrl.u32 v55, $0x4;
	vm2 =	veq.f32 v15, v15;
	v56 =	vsub.f32 v14, v15  }
0x4f: {  	vm1 =	vmand vm1, vm2;
	v57 =	vmul.u32 $0xFFFFFFEB, v16;
	v11 =	vadd.s32 v2, v11  }
0x50: {  	v58 =	vmov s0;
	v59 =	vsub.s32 $0x0, v13;
	vm1 =	vmand vm1, vm0  }
0x51: {  	s16 =	sadd.s32 $0x10, s1;
	v14 =	vnsel vm1, $0x0, v56;
	vm1 =	veq.s32 v58, v0;
	vm2 =	vne.s32 v57, v59  }
0x52: {  	[tilespmem:s16+$0x0] =	vst v14;
	vm1 =	vmand vm1, vm2  }
0x53: {  	v12 =	vld.idx.msk [tilespmem:v12+s2+$0x0], $0xffff;
	v60 =	vsel vm1, $0xFFFFFFFF, v1  }
0x54: {  	v14 =	vadd.s32 v60, v16;
	v11 =	vld.idx.msk [tilespmem:v11+s2+$0x0], $0xffff  }
0x55: {  	v61 =	vmul.u32 $0xFFFFFFEB, v14;
	_ =	sdelay $0x1  }
0x56: {  	v14 =	vmul.u32 $0x6, v14;
	v62 =	vadd.s32 v13, v61  }
0x57: {  	v13 =	vmul.u32 $0x6, v62  }
0x58: {  	v14 =	vadd.s32 v2, v14;
	vm1 =	veq.f32 v12, v12;
	vm2 =	veq.f32 v11, v11  }
0x59: {  	v13 =	vadd.s32 v2, v13;
	v11 =	vsub.f32 v12, v11;
	vm1 =	vmand vm1, vm2  }
0x5a: {  	vm1 =	vmand vm1, vm0  }
0x5b: {  	s0 =	sadd.s32 $0x10, s16;
	v11 =	vnsel vm1, $0x0, v11  }
0x5c: {  	[tilespmem:s0+$0x0] =	vst v11  }
0x5d: {  	v11 =	vld.idx.msk [tilespmem:v14+s2+$0x0], $0xffff  }
0x5e: {  	v63 =	vld.idx.msk [tilespmem:v13+s2+$0x0], $0xffff;
	_ =	sdelay $0x4  }
0x5f: {  	vm1 =	veq.f32 v11, v11;
	vm2 =	veq.f32 v63, v63  }
0x60: {  	v11 =	vsub.f32 v11, v63;
	vm1 =	vmand vm1, vm2  }
0x61: {  	vm1 =	vmand vm1, vm0  }
0x62: {  	s18 =	simm.s32 $0x0;
	s0 =	sadd.s32 $0x10, s0;
	v11 =	vnsel vm1, $0x0, v11  }
0x63: {  	s19 =	simm.s32 $0xE80;
	s22 =	simm.s32 $0x5E80;
	s24 =	simm.s32 $0x6680;
	[tilespmem:s0+$0x0] =	vst v11  }
0x64: {  	s26 =	simm.s32 $0x7680;
	s28 =	simm.s32 $0x1;
	_ =	strace $0x8000004B  }
0x65: {  	s29 =	simm.s32 $0x0;
	s30 =	simm.s32 $0x0;
	s17 =	rddreg [dreg:$0x8]  }
0x66: {  	[tilespmem:s19], [sflag:$0x1] =	stream.linear.gather [hbm4b:s17+s18], $0x2800, $0x200038;
	[tilespmem:$0xDE80] =	vst v63  }
0x67: {  	s31 =	simm.s32 $0x1;
	s5 =	simm.s32 $0x1;
	s21 =	rddreg [dreg:$0x9]  }
0x68: {  	[tilespmem:s22], [sflag:$0x3] =	stream.linear.gather [hbm4b:s21+s18], $0x400, $0x200038;
	[tilespmem:$0xDE80] =	vst v63  }
0x69: {  	s16 =	simm.s32 $0x0;
	s0 =	simm.s32 $0x0;
	s23 =	rddreg [dreg:$0xa]  }
0x6a: {  	[tilespmem:s24], [sflag:$0x5] =	stream.linear.gather [hbm4b:s23+s18], $0x800, $0x200038;
	[tilespmem:$0xDE80] =	vst v63  }
0x6b: {  	s25 =	rddreg [dreg:$0xb];
	s23 =	simm.s32 $0x1;
	s24 =	simm.s32 $0x0  }
0x6c: {  	[tilespmem:s26], [sflag:$0x7] =	stream.linear.gather [hbm4b:s25+s18], $0xC00, $0x200038;
	[tilespmem:$0xDE80] =	vst v63  }
0x6d: {  	s25 =	simm.s32 $0x0;
	s26 =	simm.s32 $0x0;
	_ =	strace $0x9000004B  }
.LBB2_4:
0x6e: {  	s17 =	sadd.s32 $0x1, s18  }
0x6f: {  	p0 =	seq.s32 s17, $0x40  }
0x70: {  	s17 =	simm.s32 @p0 $0x0;
	p0 =	seq.s32 s16, $0x3F  }
0x71: {  	p2 =	seq.s32 @!p0 s18, s17  }
0x72: {  	p1 =	por p2, p0  }
0x73: {  	s3 =	sand.u32 @!p1 $0x1, s5;
	s4 =	sadd.s32 @!p1 s9, s17  }
0x74: {  	s7 =	smul.u32 @!p1 $0xA000, s3;
	s10 =	sand.u32 @!p1 $0x1FFFFFFF, s4  }
0x75: {  	_ =	strace @!p1 $0x8000004C;
	s11 =	smul.u32 @!p1 $0x500, s10  }
0x76: {  	s12 =	simm.s32 @!p1 $0x0;
	s6 =	rddreg [dreg:$0x3];
	s7 =	sshrl.u32 @!p1 s7, $0x2  }
0x77: {  	s3 =	sadd.s32 @!p1 $0x1, s3;
	s7 =	sadd.s32 @!p1 $0xE80, s7;
	s11 =	sadd.s32 @!p1 s6, s11  }
0x78: {  	[tilespmem:s7], [sflag:s3] =	stream.linear.gather @!p1 [hbm4b:s11+s12], $0x2800, $0x200038;
	[tilespmem:$0xDE80] =	vst v63  }
0x79: {  	_ =	strace @!p1 $0x9000004C  }
0x7a: {  	s7 =	sand.u32 @!p1 $0x1, s31;
	s11 =	sshll.u32 @!p1 s4, $0x7;
	_ =	strace @!p1 $0x8000004D  }
0x7b: {  	s13 =	sshll.u32 @!p1 s7, $0xA;
	s11 =	sand.u32 @!p1 $0x1FFFFF80, s11;
	s6 =	rddreg [dreg:$0x4]  }
0x7c: {  	s7 =	sadd.s32 @!p1 $0x3, s7;
	s13 =	sadd.s32 @!p1 $0x5E80, s13;
	s11 =	sadd.s32 @!p1 s6, s11  }
0x7d: {  	[tilespmem:s13], [sflag:s7] =	stream.linear.gather @!p1 [hbm4b:s11+s12], $0x400, $0x200038;
	[tilespmem:$0xDE80] =	vst v63  }
0x7e: {  	_ =	strace @!p1 $0x9000004D  }
0x7f: {  	s4 =	sshll.u32 @!p1 s4, $0x8;
	s7 =	sand.u32 @!p1 $0x1, s23;
	_ =	strace @!p1 $0x8000004E  }
0x80: {  	s4 =	sand.u32 @!p1 $0x1FFFFF00, s4;
	s13 =	sshll.u32 @!p1 s7, $0xB;
	s6 =	rddreg [dreg:$0x5]  }
0x81: {  	s7 =	sadd.s32 @!p1 $0x5, s7;
	s13 =	sor.u32 @!p1 $0x6680, s13;
	s4 =	sadd.s32 @!p1 s6, s4  }
0x82: {  	[tilespmem:s13], [sflag:s7] =	stream.linear.gather @!p1 [hbm4b:s4+s12], $0x800, $0x200038;
	[tilespmem:$0xDE80] =	vst v63  }
0x83: {  	s4 =	sand.u32 @!p1 $0x1, s28  }
0x84: {  	s7 =	smul.u32 @!p1 $0x3000, s4;
	_ =	strace @!p1 $0x9000004E  }
0x85: {  	s10 =	smul.u32 @!p1 $0x180, s10;
	_ =	strace @!p1 $0x8000004F  }
0x86: {  	s7 =	sshrl.u32 @!p1 s7, $0x2;
	s6 =	rddreg [dreg:$0x1]  }
0x87: {  	s4 =	sadd.s32 @!p1 $0x7, s4;
	s7 =	sadd.s32 @!p1 $0x7680, s7;
	s10 =	sadd.s32 @!p1 s6, s10  }
0x88: {  	[tilespmem:s7], [sflag:s4] =	stream.linear.gather @!p1 [hbm4b:s10+s12], $0xC00, $0x200038;
	[tilespmem:$0xDE80] =	vst v63  }
0x89: {  	s4 =	sand.u32 $0x1, s0;
	_ =	strace @!p1 $0x9000004F  }
0x8a: {  	s21 =	sadd.s32 $0x1, s4;
	_ =	strace $0x80000050  }
0x8b: {  	s1 =	smov.u32 s5;
	s22 =	sand.u32 $0x1, s30;
	_ =	swait.ge [sflag:s21], $0x2800  }
0x8c: {  	s19 =	simm.s32 $0x0;
	s8 =	sand.u32 $0x1, s26;
	[sflag:s21] =	ssyncset.done $0x0  }
0x8d: {  	s15 =	sshll.u32 s30, $0xA;
	p2 =	por !p2, p0;
	[sflag:s21] =	ssyncadd.s32 $0xFFFFD800  }
0x8e: {  	s14 =	sadd.s32 $0x7, s8;
	s19 =	simm.s32 @p2 $0x1;
	_ =	strace $0x90000050  }
0x8f: {  	s19 =	simm.s32 @p0 $0x0;
	s7 =	sadd.s32 $0x3, s22;
	_ =	strace $0x80000051  }
0x90: {  	s3 =	smov.u32 s31;
	s13 =	sadd.s32 @!p1 $0x1, s5;
	_ =	swait.ge [sflag:s7], $0x400  }
0x91: {  	s11 =	smov.u32 s23;
	s5 =	smov.u32 @p2 s13;
	[sflag:s7] =	ssyncset.done $0x0  }
0x92: {  	s13 =	simm.s32 $0x8280;
	s5 =	smov.u32 @p0 s1;
	[sflag:s7] =	ssyncadd.s32 $0xFFFFFC00  }
0x93: {  	s1 =	sand.u32 $0x400, s15;
	s6 =	sand.u32 $0x1, s29;
	_ =	strace $0x90000051  }
0x94: {  	s15 =	simm.s32 $0x0;
	s10 =	sadd.s32 $0x5, s6;
	_ =	strace $0x80000052  }
0x95: {  	s12 =	sadd.s32 @!p1 $0x1, s23;
	s22 =	sshll.u32 s29, $0xB;
	_ =	swait.ge [sflag:s10], $0x800  }
0x96: {  	s23 =	smov.u32 @p2 s12;
	s12 =	sadd.s32 @!p1 $0x1, s31;
	[sflag:s10] =	ssyncset.done $0x0  }
0x97: {  	p1 =	seq.s32 s4, $0x1;
	s4 =	simm.s32 $0x3680;
	[sflag:s10] =	ssyncadd.s32 $0xFFFFF800  }
0x98: {  	s31 =	smov.u32 @p2 s12;
	s23 =	smov.u32 @p0 s11;
	_ =	strace $0x90000052  }
0x99: {  	s11 =	sadd.s32 $0x5E80, s1;
	s10 =	sand.u32 $0x1, s25;
	_ =	strace $0x80000053  }
0x9a: {  	s4 =	simm.s32 @!p1 $0xE80;
	s21 =	smul.u32 $0xA000, s10;
	_ =	swait.ge [sflag:s14], $0xC00  }
0x9b: {  	p1 =	seq.s32 s8, $0x1;
	s31 =	smov.u32 @p0 s3;
	[sflag:s14] =	ssyncset.done $0x0  }
0x9c: {  	s3 =	sand.u32 $0x800, s22;
	s1 =	sshrl.u32 s21, $0x2;
	[sflag:s14] =	ssyncadd.s32 $0xFFFFF400  }
0x9d: {  	s13 =	simm.s32 @!p1 $0x7680;
	s12 =	sadd.s32 $0x8E80, s1;
	_ =	strace $0x90000053  }
0x9e: {  	v11 =	vmov s4;
	s7 =	sadd.s32 s9, s18;
	s14 =	sor.u32 $0x6680, s3;
	v12 =	vmov s12;
	_ =	strace $0x80000054  }
.LBB2_5:
0x9f: {  	v13 =	vmov s15  }
0xa0: {  	v13 =	vshll.u32 v13, $0x7  }
0xa1: {  	v13 =	vbroadcast v13, $0x0;
	_ =	sdelay $0x5  }
0xa2: {  	v14 =	vld.idx.msk [tilespmem:v13+s11+$0x0], $0xffff;
	_ =	sdelay $0x4  }
0xa3: {  	vm1 =	vgt.s32 v14, $0x0  }
0xa4: {  	v14 =	vnsel vm1, $0x0, v14  }
0xa5: {  	v14 =	vmin.u32 v14, $0x14  }
0xa6: {  	v16 =	vmul.u32 $0xA8, v14  }
0xa7: {  	s21 =	sshll.u32 s15, $0x7;
	s22 =	simm.s32 $0x0  }
0xa8: {  	s1 =	simm.s32 $0x0;
	s3 =	simm.s32 $0x0;
	s4 =	simm.s32 $0x0;
	v14 =	vor.u32 v3, v16;
	v15 =	vor.u32 v4, v16;
	v16 =	vor.u32 v5, v16  }
.LBB2_6:
0xa9: {  	v17 =	vmov s3;
	v18 =	vor.u32 s3, v6  }
0xaa: {  	v18 =	vand.u32 $0x7B, v18;
	v17 =	vshll.u32 v17, $0x3  }
0xab: {  	v17 =	vand.u32 $0x400, v17;
	v18 =	vor.u32 v18, v13  }
0xac: {  	v18 =	vor.u32 v17, v18;
	_ =	sdelay $0x4  }
0xad: {  	v18 =	vld.idx.msk [tilespmem:v18+s14+$0x0], $0xffff;
	_ =	sdelay $0x3  }
0xae: {  	v19 =	vmov s1  }
0xaf: {  	v20 =	vor.u32 s1, v8;
	v19 =	vshll.u32 v19, $0x3;
	vm1 =	vgt.s32 v18, $0x0  }
0xb0: {  	v20 =	vand.u32 $0x7F, v20;
	v19 =	vand.u32 $0xC00, v19;
	v18 =	vnsel vm1, $0x0, v18  }
0xb1: {  	v19 =	vor.u32 v19, v20;
	v18 =	vmin.u32 v18, $0x14  }
0xb2: {  	v19 =	vor.u32 v13, v19;
	v18 =	vshll.u32 v18, $0x3  }
0xb3: {  	s6 =	sand.u32 $0x70, s22;
	s8 =	sand.u32 $0x3C00, s4;
	v18 =	vadd.s32 v18, v14  }
0xb4: {  	s6 =	sor.u32 s8, s6  }
0xb5: {  	s6 =	sor.u32 s21, s6  }
0xb6: {  	v60 =	vld.idx.msk [tilespmem:v11+s6+$0x0 ss:$0x1], $0xffff  }
0xb7: {  	v19 =	vld.idx.msk [tilespmem:v19+s13+$0x0], $0xffff  }
0xb8: {  	v18 =	vld.idx.msk [tilespmem:v18+s20+$0x0], $0xffff  }
0xb9: {  	v21 =	vor.u32 s3, v9  }
0xba: {  	v21 =	vand.u32 $0x7F, v21  }
0xbb: {  	v21 =	vor.u32 v21, v13  }
0xbc: {  	v21 =	vor.u32 v17, v21  }
0xbd: {  	v19 =	vand.u32 v7, v19;
	v18 =	vadd.f32 v60, v18  }
0xbe: {  	vm1 =	veq.s32 v19, $0x0  }
0xbf: {  	v18 =	vsel vm1, v60, v18  }
0xc0: {  	[tilespmem:v12+s6+$0x0 ss:$0x1] =	vst.idx.msk $0xffff, v18  }
0xc1: {  	v18 =	vld.idx.msk [tilespmem:v21+s14+$0x0], $0xffff;
	_ =	sdelay $0x1  }
0xc2: {  	s8 =	sadd.s32 $0x4, s1  }
0xc3: {  	v19 =	vmov s8  }
0xc4: {  	v61 =	vor.u32 s8, v8;
	v19 =	vshll.u32 v19, $0x3  }
0xc5: {  	v20 =	vand.u32 $0x7F, v61;
	v19 =	vand.u32 $0x7FFFFC00, v19;
	vm1 =	vgt.s32 v18, $0x0  }
0xc6: {  	v19 =	vor.u32 v19, v20;
	v18 =	vnsel vm1, $0x0, v18  }
0xc7: {  	v19 =	vor.u32 v13, v19;
	v18 =	vmin.u32 v18, $0x14  }
0xc8: {  	v18 =	vshll.u32 v18, $0x3  }
0xc9: {  	s8 =	sadd.s32 $0x80, s4;
	s6 =	sadd.s32 $0x10, s22;
	v18 =	vadd.s32 v18, v15  }
0xca: {  	s8 =	sand.u32 $0x7C00, s8;
	s6 =	sand.u32 $0x70, s6  }
0xcb: {  	s6 =	sor.u32 s8, s6  }
0xcc: {  	v19 =	vld.idx.msk [tilespmem:v19+s13+$0x0], $0xffff;
	s6 =	sor.u32 s21, s6  }
0xcd: {  	v62 =	vld.idx.msk [tilespmem:v11+s6+$0x0 ss:$0x1], $0xffff  }
0xce: {  	v18 =	vld.idx.msk [tilespmem:v18+s20+$0x0], $0xffff  }
0xcf: {  	v63 =	vor.u32 s3, v10  }
0xd0: {  	v21 =	vand.u32 $0x7F, v63  }
0xd1: {  	v21 =	vor.u32 v21, v13  }
0xd2: {  	v17 =	vor.u32 v17, v21  }
0xd3: {  	v19 =	vand.u32 v7, v19;
	v18 =	vadd.f32 v62, v18  }
0xd4: {  	vm1 =	veq.s32 v19, $0x0  }
0xd5: {  	v18 =	vsel vm1, v62, v18  }
0xd6: {  	[tilespmem:v12+s6+$0x0 ss:$0x1] =	vst.idx.msk $0xffff, v18  }
0xd7: {  	v17 =	vld.idx.msk [tilespmem:v17+s14+$0x0], $0xffff;
	_ =	sdelay $0x2  }
0xd8: {  	s8 =	sadd.s32 $0x8, s1  }
0xd9: {  	v18 =	vmov s8  }
0xda: {  	v19 =	vor.u32 s8, v8;
	v18 =	vshll.u32 v18, $0x3;
	vm1 =	vgt.s32 v17, $0x0  }
0xdb: {  	v19 =	vand.u32 $0x7F, v19;
	v18 =	vand.u32 $0x7FFFFC00, v18;
	v17 =	vnsel vm1, $0x0, v17  }
0xdc: {  	v18 =	vor.u32 v18, v19;
	v17 =	vmin.u32 v17, $0x14  }
0xdd: {  	s6 =	sadd.s32 $0x20, s22;
	s8 =	sadd.s32 $0x100, s4;
	v18 =	vor.u32 v13, v18;
	v17 =	vshll.u32 v17, $0x3  }
0xde: {  	s6 =	sand.u32 $0x70, s6;
	s8 =	sand.u32 $0x7C00, s8;
	v17 =	vadd.s32 v17, v16  }
0xdf: {  	s6 =	sor.u32 s8, s6  }
0xe0: {  	s6 =	sor.u32 s21, s6  }
0xe1: {  	v19 =	vld.idx.msk [tilespmem:v11+s6+$0x0 ss:$0x1], $0xffff  }
0xe2: {  	v18 =	vld.idx.msk [tilespmem:v18+s13+$0x0], $0xffff  }
0xe3: {  	v17 =	vld.idx.msk [tilespmem:v17+s20+$0x0], $0xffff;
	_ =	sdelay $0x2  }
0xe4: {  	p1 =	sne.s32 s4, $0x2400  }
.Ltmp1:
0xe5: {  	_ = 	snop;
	(pc) =	sbr.rel @p1 .LBB2_6-.Ltmp1, $4  }
0xe6: {  	v18 =	vand.u32 v7, v18;
	v17 =	vadd.f32 v19, v17  }
0xe7: {  	vm1 =	veq.s32 v18, $0x0  }
0xe8: {  	s3 =	sadd.s32 $0x8, s3;
	v17 =	vsel vm1, v19, v17  }
0xe9: {  	s1 =	sadd.s32 $0xC, s1;
	s22 =	sadd.s32 $0x30, s22;
	s4 =	sadd.s32 $0x180, s4;
	[tilespmem:v12+s6+$0x0 ss:$0x1] =	vst.idx.msk $0xffff, v17  }
0xea: {  	s15 =	sadd.s32 $0x1, s15  }
0xeb: {  	p1 =	sne.s32 s15, $0x8  }
.Ltmp2:
0xec: {  	_ = 	snop;
	(pc) =	sbr.rel @p1 .LBB2_5-.Ltmp2, $1  }
0xed: {  	_ =	sdelay $0x3  }
0xee: {  	p1 =	sne.s32 s18, s17  }
0xef: {  	_ =	strace $0x90000054;
	p0 =	por p0, p1  }
0xf0: {  	s1 =	smul.u32 @p0 $0x500, s7;
	_ =	strace @p0 $0x80000055  }
0xf1: {  	p1 =	seq.s32 s16, $0x0;
	s4 =	rddreg [dreg:$0x7]  }
0xf2: {  	s3 =	sadd.s32 @p0 $0x9, s10;
	s1 =	sadd.s32 @p0 s4, s1;
	s4 =	simm.s32 @p0 $0x0  }
0xf3: {  	[hbm4b:s1+s4] =	stream.linear.scatter @p0 [tilespmem:s12], [sflag:s3], $0x2800, $0x200038;
	[tilespmem:$0xDE80] =	vst v63  }
0xf4: {  	s1 =	sand.u32 @!p1 $0x1, s24;
	_ =	strace @p0 $0x90000055  }
0xf5: {  	s1 =	sadd.s32 @!p1 $0x9, s1;
	_ =	strace @!p1 $0x80000056  }
0xf6: {  	s3 =	simm.s32 $0x1;
	_ =	swait.ge @!p1 [sflag:s1], $0x2800  }
0xf7: {  	s3 =	simm.s32 @!p0 $0x0;
	p0 =	sne.s32 s16, $0x0;
	[sflag:s1] =	ssyncset.done @!p1 $0x0  }
0xf8: {  	s16 =	sadd.s32 $0x1, s16;
	[sflag:s1] =	ssyncadd.s32 @!p1 $0xFFFFD800;
	s1 =	simm.s32 $0x1  }
0xf9: {  	s1 =	simm.s32 @!p0 $0x0;
	p0 =	sne.s32 s16, $0x40  }
.Ltmp3:
0xfa: {  	_ = 	snop;
	(pc) =	sbr.rel @p0 .LBB2_4-.Ltmp3, $4  }
0xfb: {  	_ = 	snop  }
0xfc: {  	s28 =	sadd.s32 s28, s19;
	s18 =	smov.u32 s17;
	s25 =	sadd.s32 s3, s25  }
0xfd: {  	s0 =	sadd.s32 s3, s0;
	s30 =	sadd.s32 s3, s30;
	s29 =	sadd.s32 s3, s29  }
0xfe: {  	s26 =	sadd.s32 s3, s26;
	_ =	strace @!p1 $0x90000056;
	s24 =	sadd.s32 s1, s24  }
0xff: {  	_ =	strace $0x80000057;
	s0 =	simm.s32 $0xA  }
0x100: {  	_ =	swait.ge [sflag:s0], $0x2800  }
0x101: {  	s1 =	rddreg [dreg:$0xd]  }
0x102: {  	s31 =	rddreg [dreg:$0xc];
	s1 =	sadd.s32 $0x1, s1  }
0x103: {  	p0 =	sne.s32 s1, s31  }
.Ltmp4:
0x104: {  	_ = 	snop;
	(pc) =	sbr.rel @p0 .LBB2_1-.Ltmp4, $4  }
0x105: {  	_ = 	snop  }
0x106: {  	[sflag:s0] =	ssyncset.done $0x0  }
0x107: {  	[sflag:s0] =	ssyncadd.s32 $0xFFFFD800  }
0x108: {  	_ =	strace $0x90000057  }
0x109: {  	_ =	sfence.sel $0x180000  }
0x10a: {  	[bflag:$0x0] =	sbarrier.arrive $0xFFFF  }
0x10b: {  	_ =	strace $0x9000004A  }
0x10c: {  	s0 =	stileid.u32;
	[bflag:$0x2] =	sbarrier.arrive $0xFFFF  }
0x10d: {  	p0 =	sne.s32 s0, $0x0;
	s0 =	rddreg [dreg:$0x2]  }
0x10e: {  	s0 =	sadd.s32 @!p0 $0x100000, s0  }
0x10f: {  	[sflag:s0] =	ssyncadd.tile.s32 @!p0 $0x1;
	_ =	shalt  }
.Lfunc_end2:
_tile_overlayer_lowered:
.L_overlay_start_2:
0x110: {  	(tag) =	ssettag $0x2  }
0x111: {  	s0 =	rddreg [dreg:$0x0];
	s2 =	stileid.u32  }
0x112: {  	s1 =	rddreg [dreg:$0x1];
	p0 =	sne.s32 s2, $0x0  }
0x113: {  	s3 =	rddreg [dreg:$0x2];
	[bflag:$0x3] =	sbarrier.arrive $0xFFFF;
	s2 =	simm.s32 @!p0 $0x1C01  }
0x114: {  	[timem:s3], [sflag:s2] =	dma.local @!p0 [hbm:s0], s1  }
0x115: {  	s0 =	simm.s32 @!p0 $0x1  }
0x116: {  	_ =	swait.ge @!p0 [sflag:s0], s1  }
0x117: {  	s1 =	ssub.s32 @!p0 $0x0, s1;
	[sflag:s0] =	ssyncset.done @!p0 $0x0  }
0x118: {  	[sflag:s0] =	ssyncadd.s32 @!p0 s1  }
0x119: {  	[bflag:$0x3] =	sbarrier.arrive $0xFFFF  }
0x11a: {  	_ =	shalt  }

// kernel: sparse-core-data-format-call.1.cloned.1.call-start
scs
called_computation.1_lowered:
.L_overlay_start_0:
0x0: {  	s1 =	sld [smem:$0x3FD9]  }
0x1: {  	s2 =	sld [smem:$0x3FFE];
	_ =	sdelay $0x1  }
0x2: {  	s3 =	srdreg.scid  }
0x3: {  	s0 =	sand.u32 $0x1, s3  }
0x4: {  	s17 =	sshll.u32 s0, $0xA;
	s1 =	sadd.s32 s2, s1  }
0x5: {  	s1 =	sadd.s32 s1, s17  }
0x6: {  	[smem:$0x3FC3] =	sst s1  }
0x7: {  	_ = 	snop  }
0x8: {  	(tm) =	ssettm $0x1  }
0x9: {  	s18 =	sld [smem:$0x3FFB];
	_ =	sdelay $0x3  }
0xa: {  	_ =	strace s18  }
0xb: {  	s1 =	sld [smem:$0x3FFC];
	_ =	sdelay $0x3  }
0xc: {  	_ =	strace s1  }
0xd: {  	s1 =	sld [smem:$0x3FFD];
	_ =	sdelay $0x3  }
0xe: {  	_ =	strace s1  }
0xf: {  	_ =	strace $0x8FFFFFFF  }
0x10: {  	s19 =	sld [smem:$0x3FDB];
	_ =	sdelay $0x1  }
0x11: {  	s20 =	simm.s32 $_scs_section_size  }
0x12: {  	s4 =	simm.s32 $_size__tile_overlayer_lowered;
	s5 =	simm.s32 $_tile_overlayer_lowered  }
0x13: {  	s23 =	simm.s32 $0x1BFF;
	s22 =	sshll.u32 s5, $0x1;
	s1 =	sadd.s32 s20, s19  }
0x14: {  	s6 =	simm.s32 $0x0;
	s21 =	sshll.u32 s4, $0x1;
	s4 =	sadd.s32 s22, s1  }
0x15: {  	[timem:s6], [sflag:s23] =	dma.local [hbm:s4], s21  }
0x16: {  	_ =	swait.ge [sflag:s23], s21  }
0x17: {  	s2 =	ssub.s32 $0x0, s21;
	[sflag:s23] =	ssyncset.done $0x0  }
0x18: {  	[sflag:s23] =	ssyncadd.s32 s2;
	_ =	sdelay $0x1  }
0x19: {  	s24 =	simm.s32 $0x1B8B  }
0x1a: {  	_ =	swait.ge [sflag:s24], $0x1  }
0x1b: {  	[sflag:s24] =	ssyncset.done $0x0  }
0x1c: {  	s26 =	simm.s32 $0x1B8E;
	s25 =	sld [smem:$0x3FFE];
	[sflag:s24] =	ssyncadd.s32 $0xFFFFFFFF  }
0x1d: {  	s27 =	simm.s32 $execute0_lowered;
	[smem:$0x3FD2] =	sst s26  }
0x1e: {  	s4 =	sshll.u32 s27, $0x1;
	_ =	strace $0x80000046;
	[dreg:$0x1] =	wrdreg $0xFFFFFFFF  }
0x1f: {  	s28 =	simm.s32 $_size_execute0_lowered;
	s1 =	sadd.s32 s1, s4;
	[dreg:$0x0] =	wrdreg $0x0  }
0x20: {  	s4 =	sshll.u32 s28, $0x1;
	[dreg:$0x2] =	wrdreg s1  }
0x21: {  	[dreg:$0x3] =	wrdreg s4  }
0x22: {  	[dreg:$0x4] =	wrdreg $0xC0  }
0x23: {  	_ =	task [dreg:s6], $0x5FFFF  }
0x24: {  	[dreg:$0x1] =	wrdreg $0xFFFFFFFF  }
0x25: {  	[dreg:$0x0] =	wrdreg $0x60  }
0x26: {  	[dreg:$0x2] =	wrdreg s25  }
0x27: {  	[dreg:$0x3] =	wrdreg $0x9  }
0x28: {  	_ =	task.clear_ibuf [dreg:s6], $0x4FFFF;
	_ =	strace $0x90000046  }
0x29: {  	s29 =	simm.s32 $0x9;
	_ =	strace $0x80000048  }
0x2a: {  	_ =	swait.ge [sflag:s29], $0x1  }
0x2b: {  	[sflag:s29] =	ssyncadd.s32 $0xFFFFFFFF  }
0x2c: {  	_ =	strace $0x90000048  }
0x2d: {  	_ =	sfence  }
0x2e: {  	s30 =	sld [smem:$0x0];
	_ =	sdelay $0x2  }
0x2f: {  	s31 =	sshll.u32 s3, $0xD;
	s3 =	sshrl.u32 s3, $0x2  }
0x30: {  	s2 =	sand.u32 $0x4000, s31;
	s1 =	sadd.s32 s3, s30  }
0x31: {  	s0 =	sor.u32 s2, s0;
	s1 =	sshll.u32 s1, $0x11  }
0x32: {  	s0 =	sor.u32 s1, s0  }
0x33: {  	s0 =	sadd.s32 $0x8F2B, s0  }
0x34: {  	[sflag:s0] =	ssyncadd.remote.s32 $0x1  }
0x35: {  	_ =	sfence.sel $0xFFFF  }
0x36: {  	[dreg:$0x0] =	wrdreg $0xFFFFFFFF;
	(pc) =	sbr.abs _section_cstart, $3  }
0x37: {  	[dreg:$0x1] =	wrdreg $0xFFFFFFFF  }
0x38: {  	_ =	task.clear_ibuf [dreg:s6], $0x2FFFF;
	_ =	strace $0x9FFFFFFF  }
0x39: {  	(tm) =	ssettm $0x7FFFFFFF  }
tec
execute0_lowered:
.L_overlay_start_1:
0x0: {  	(tag) =	ssettag $0x1  }
0x1: {  	s3 =	stileid.u32;
	s0 =	srdreg.scid  }
0x2: {  	s2 =	rddreg [dreg:$0x0];
	_ =	strace $0x80000047;
	s29 =	simm.s32 $0x1  }
0x3: {  	s31 =	simm.s32 $0x2;
	s1 =	sshll.u32 s3, $0x6;
	s0 =	sshll.u32 s0, $0xA  }
0x4: {  	s17 =	simm.s32 $0x0;
	s19 =	simm.s32 $0x0;
	s0 =	sor.u32 s1, s0  }
0x5: {  	s18 =	simm.s32 $0x0;
	s10 =	simm.s32 $0x0;
	s7 =	sand.u32 $0x780, s0  }
0x6: {  	s11 =	simm.s32 $0x0;
	s13 =	simm.s32 $0x0;
	s0 =	ssub.s32 $0x4000, s7  }
0x7: {  	s15 =	simm.s32 $0x0;
	s9 =	sadd.s32 $0x1C00, s2;
	s27 =	sand.u32 $0x780, s0  }
0x8: {  	s28 =	sadd.s32 $0x259C00, s2;
	s1 =	simm.s32 $0x1;
	p0 =	sne.s32 s27, $0x0  }
0x9: {  	s30 =	sshll.u32 s3, $0x7;
	s0 =	sshrl.u32 s0, $0xB;
	s1 =	simm.s32 @!p0 $0x0  }
.Ltmp0:
0xa: {  	[dreg:$0x4] =	wrdreg s28;
	s0 =	sadd.s32 s1, s0;
	(pc) =	sbr.rel .LBB1_1-.Ltmp0, $4  }
0xb: {  	s20 =	sand.u32 $0x80, s30;
	[dreg:$0x3] =	wrdreg s9;
	s6 =	smul.u32 $0x6, s0  }
0xc: {  	s16 =	simm.s32 $0x0;
	[sflag:s29] =	ssyncpa.u1 $0x0;
	[dreg:$0x5] =	wrdreg s20  }
0xd: {  	[sflag:s31] =	ssyncpa.u1 $0x0;
	[dreg:$0x2] =	wrdreg s7;
	s21 =	sor.u32 $0x1, s6  }
0xe: {  	s14 =	smov.u32 s20;
	s12 =	smov.u32 s7;
	[dreg:$0x6] =	wrdreg s21  }
.LBB1_14:
0xf: {  	p0 =	sgt.s32 s13, $0x7;
	s0 =	smov.u32 s13;
	s24 =	sand.u32 $0x78, s10  }
0x10: {  	s2 =	sshll.u32 s13, $0x7;
	s3 =	sshll.u32 s10, $0x3;
	s25 =	sshll.u32 s11, $0xE  }
0x11: {  	s26 =	sand.u32 $0x3800, s10;
	s4 =	rddreg [dreg:$0x4];
	s27 =	sand.u32 $0x7, s10  }
0x12: {  	s29 =	sor.u32 $0x8000, s22;
	s7 =	rddreg [dreg:$0x2];
	s0 =	simm.s32 @!p0 $0x7  }
0x13: {  	s31 =	simm.s32 $0x20000;
	s9 =	rddreg [dreg:$0x3];
	s0 =	sadd.s32 s20, s0  }
0x14: {  	s2 =	sand.u32 $0x380, s2;
	s3 =	sand.u32 $0x3C00, s3;
	s1 =	sadd.s32 $0xFFFFFFF9, s0  }
0x15: {  	s28 =	sshll.u32 s27, $0x12;
	s0 =	ssub.s32 $0x8, s0;
	p0 =	sgt.s32 s1, $0x0  }
0x16: {  	s30 =	sor.u32 $0x80, s28;
	s1 =	sor.u32 s2, s24;
	s0 =	simm.s32 @p0 $0x0  }
0x17: {  	s2 =	sadd.s32 s4, s25;
	s1 =	sor.u32 s3, s1;
	s0 =	smul.u32 s0, s21  }
0x18: {  	s20 =	rddreg [dreg:$0x5];
	s2 =	sadd.s32 s26, s2;
	s1 =	sshrl.u32 s1, $0x3  }
0x19: {  	s21 =	rddreg [dreg:$0x6];
	s1 =	sadd.s32 s1, s2;
	s0 =	sand.u32 $0x3FFFFFFF, s0  }
0x1a: {  	[hbm4b:s1+s30] =	stream.strided.scatter [tilespmem:s29], [sflag:$0x2], s0, s31, s30, $0x38;
	[tilespmem:$0x10000] =	vst v63  }
.LBB1_15:
0x1b: {  	p0 =	slt.u32 s16, $0x2  }
0x1c: {  	s0 =	smov.u32 s19;
	p1 =	sgt.s32 @!p0 s19, $0x48  }
0x1d: {  	s2 =	smov.u32 s18;
	s1 =	sshra.s32 @!p0 s19, $0x1F;
	p1 =	por !p1, p0  }
0x1e: {  	s1 =	sand.u32 @!p0 s1, s19;
	s0 =	simm.s32 @p1 $0x48;
	p1 =	sgt.s32 @!p0 s18, $0x7  }
0x1f: {  	s3 =	sshra.s32 @!p0 s18, $0x1F;
	p1 =	por !p1, p0;
	s0 =	ssub.s32 @!p0 s0, s1  }
0x20: {  	s1 =	sand.u32 @!p0 s3, s18;
	s2 =	simm.s32 @p1 $0x7;
	s3 =	sadd.s32 @!p0 $0xFFFFFFB8, s0  }
0x21: {  	p1 =	sgt.s32 @!p0 s17, $0x3F80;
	s1 =	ssub.s32 @!p0 s2, s1;
	p2 =	sgt.s32 @!p0 s3, $0x7F  }
0x22: {  	p1 =	por !p1, p0;
	s3 =	smov.u32 s17;
	s2 =	sadd.s32 @!p0 $0xFFFFFFF9, s1  }
0x23: {  	s3 =	simm.s32 @p1 $0x3F80;
	p1 =	sgt.s32 @!p0 s2, $0x0;
	s2 =	sshra.s32 @!p0 s17, $0x1F  }
0x24: {  	s0 =	ssub.s32 @!p0 $0xC8, s0;
	p2 =	por !p2, p0;
	s2 =	sand.u32 @!p0 s2, s17  }
0x25: {  	s1 =	ssub.s32 @!p0 $0x8, s1;
	p1 =	por !p1, p0;
	s2 =	ssub.s32 @!p0 s3, s2  }
0x26: {  	s0 =	simm.s32 @!p2 $0x0;
	s1 =	simm.s32 @!p1 $0x0;
	s3 =	sadd.s32 @!p0 $0xFFFFC080, s2  }
0x27: {  	s4 =	smov.u32 s14;
	s0 =	smul.u32 @!p0 s1, s0;
	p1 =	sgt.s32 @!p0 s3, $0x7F  }
0x28: {  	s1 =	ssub.s32 @!p0 $0x4000, s2;
	s2 =	sadd.s32 $0x800, s12;
	p1 =	por !p1, p0  }
0x29: {  	s3 =	sadd.s32 $0x100, s14;
	s1 =	simm.s32 @!p1 $0x0;
	p1 =	sgt.s32 s2, $0x3FFF  }
0x2a: {  	s0 =	smul.u32 @!p0 s1, s0;
	s4 =	smov.u32 @p1 s3  }
0x2b: {  	s2 =	smov.u32 @p1 s7;
	s1 =	simm.s32 $0x1;
	p1 =	sgt.s32 s4, $0xC7  }
0x2c: {  	s1 =	simm.s32 @!p1 $0x0  }
0x2d: {  	s1 =	sadd.s32 s1, s15  }
0x2e: {  	s19 =	smov.u32 s11;
	s4 =	smov.u32 @p1 s20;
	p1 =	sgt.s32 s1, $0x5  }
0x2f: {  	s11 =	smov.u32 s14;
	s1 =	simm.s32 @p1 $0x0;
	p1 =	sne.s32 s16, s21  }
.Ltmp1:
0x30: {  	s18 =	smov.u32 s13;
	s13 =	smov.u32 s15;
	(pc) =	sbr.rel @!p1 .LBB1_16-.Ltmp1, $4  }
0x31: {  	s17 =	smov.u32 s10;
	s3 =	simm.s32 @!p0 $0x2;
	s0 =	sand.u32 @!p0 $0x3FFFFFFF, s0  }
0x32: {  	s10 =	smov.u32 s12;
	s12 =	smov.u32 s2;
	_ =	swait.ge @!p0 [sflag:s3], s0  }
0x33: {  	s0 =	ssub.s32 @!p0 $0x0, s0;
	s14 =	smov.u32 s4;
	[sflag:s3] =	ssyncset.done @!p0 $0x0  }
0x34: {  	s16 =	sadd.s32 $0x1, s16;
	[sflag:s3] =	ssyncadd.s32 @!p0 s0;
	s15 =	smov.u32 s1  }
.LBB1_1:
0x35: {  	p0 =	sge.u32 s16, s6  }
0x36: {  	p1 =	sgt.s32 @!p0 s15, $0x5  }
0x37: {  	s0 =	smov.u32 s15;
	s1 =	sshra.s32 @!p0 s15, $0x1F;
	p1 =	por !p1, p0  }
0x38: {  	s1 =	sand.u32 @!p0 s1, s15;
	s0 =	simm.s32 @p1 $0x5  }
0x39: {  	s0 =	ssub.s32 @!p0 s0, s1  }
0x3a: {  	s1 =	sadd.s32 @!p0 $0xFFFFFFFB, s0  }
0x3b: {  	s3 =	smov.u32 s14;
	p1 =	sgt.s32 @!p0 s1, $0x0  }
0x3c: {  	s2 =	sshll.u32 @!p0 s14, $0xE;
	s0 =	ssub.s32 @!p0 $0x6, s0;
	p1 =	por !p1, p0  }
0x3d: {  	s4 =	sshra.s32 @!p0 s14, $0x1F;
	s0 =	simm.s32 @!p1 $0x0;
	p1 =	sgt.s32 @!p0 s14, $0x48  }
0x3e: {  	s8 =	sshra.s32 @!p0 s12, $0x1F;
	s4 =	sand.u32 @!p0 s4, s14;
	p1 =	por !p1, p0  }
0x3f: {  	s2 =	sand.u32 @!p0 $0xFFFE0000, s2;
	s8 =	sand.u32 @!p0 s8, s12;
	s3 =	simm.s32 @p1 $0x48  }
0x40: {  	s1 =	sand.u32 @!p0 $0x78, s12;
	p1 =	sgt.s32 @!p0 s12, $0x3F80;
	s3 =	ssub.s32 @!p0 s3, s4  }
0x41: {  	p1 =	por !p1, p0;
	s4 =	smov.u32 s12;
	s5 =	sadd.s32 @!p0 $0xFFFFFFB8, s3  }
0x42: {  	s4 =	simm.s32 @p1 $0x3F80;
	s3 =	ssub.s32 @!p0 $0xC8, s3;
	p1 =	sgt.s32 @!p0 s5, $0x7F  }
0x43: {  	s5 =	sshll.u32 @!p0 s12, $0x3;
	s4 =	ssub.s32 @!p0 s4, s8;
	p1 =	por !p1, p0  }
0x44: {  	s2 =	sadd.s32 @!p0 s2, s5;
	s8 =	sadd.s32 @!p0 $0xFFFFC080, s4;
	s3 =	simm.s32 @!p1 $0x0  }
0x45: {  	p1 =	sgt.s32 @!p0 s8, $0x7F;
	s8 =	sshll.u32 @!p0 s14, $0x7;
	s2 =	sshrl.u32 @!p0 s2, $0xE  }
0x46: {  	s0 =	smul.u32 @!p0 s0, s3;
	s3 =	ssub.s32 @!p0 $0x4000, s4;
	p1 =	por !p1, p0  }
0x47: {  	s4 =	sand.u32 @!p0 $0x380, s8;
	s8 =	smulhi.u32 @!p0 $0x147AE15, s2;
	s3 =	simm.s32 @!p1 $0x0  }
0x48: {  	s31 =	sadd.s32 $0xFFFFFFFF, s16;
	s1 =	sor.u32 @!p0 s4, s1;
	s0 =	smul.u32 @!p0 s3, s0  }
0x49: {  	s4 =	sand.u32 @!p0 $0x3C00, s5;
	s3 =	sxor.u32 @!p0 $0xFFFFFFFF, s16;
	s5 =	smul.u32 @!p0 $0xC8, s8  }
0x4a: {  	s1 =	sor.u32 @!p0 s4, s1;
	s4 =	smul.u32 @!p0 $0x64000, s15;
	s3 =	sshll.u32 @!p0 s3, $0xE  }
0x4b: {  	s1 =	sshrl.u32 @!p0 s1, $0x3;
	s3 =	sand.u32 @!p0 $0x4000, s3;
	s2 =	ssub.s32 @!p0 s2, s5  }
0x4c: {  	s0 =	sand.u32 @!p0 $0x3FFFFFFF, s0;
	s4 =	sadd.s32 @!p0 s9, s4;
	s5 =	sand.u32 @!p0 $0x7, s12  }
0x4d: {  	s2 =	sshll.u32 @!p0 s2, $0xB;
	s1 =	sadd.s32 @!p0 s1, s4;
	s4 =	sshll.u32 @!p0 s5, $0x12  }
0x4e: {  	s1 =	sadd.s32 @!p0 s2, s1;
	s2 =	sor.u32 @!p0 $0x400, s4;
	s4 =	simm.s32 @!p0 $0x20000  }
0x4f: {  	[tilespmem:s3], [sflag:$0x1] =	stream.strided.gather @!p0 [hbm4b:s1+s2], s0, s4, s2, $0x38;
	[tilespmem:$0x10000] =	vst v63  }
0x50: {  	p0 =	sge.u32 s31, s6  }
.Ltmp2:
0x51: {  	_ = 	snop;
	(pc) =	sbr.rel @p0 .LBB1_15-.Ltmp2, $1  }
0x52: {  	_ =	sdelay $0x3  }
0x53: {  	s0 =	ssub.s32 $0x0, s13;
	s1 =	sshra.s32 s13, $0x1F  }
0x54: {  	p0 =	sgt.s32 s13, $0x5;
	p1 =	sgt.s32 s11, $0x48;
	s2 =	sshra.s32 s11, $0x1F  }
0x55: {  	s3 =	smov.u32 s10;
	s4 =	sshra.s32 s10, $0x1F;
	s20 =	sand.u32 s0, s1  }
0x56: {  	s0 =	smov.u32 s13;
	s1 =	smov.u32 s11;
	s2 =	sand.u32 s2, s11  }
0x57: {  	s0 =	simm.s32 @!p0 $0x5;
	s1 =	simm.s32 @!p1 $0x48;
	p0 =	sgt.s32 s10, $0x3F80  }
0x58: {  	s25 =	sand.u32 s4, s10;
	s1 =	ssub.s32 s1, s2;
	s3 =	simm.s32 @!p0 $0x3F80  }
0x59: {  	s0 =	sadd.s32 s20, s0;
	s26 =	sadd.s32 $0xFFFFFFB8, s1;
	s2 =	ssub.s32 s3, s25  }
0x5a: {  	s27 =	sadd.s32 $0xFFFFFFFB, s0;
	s1 =	ssub.s32 $0xC8, s1;
	s28 =	sadd.s32 $0xFFFFC080, s2  }
0x5b: {  	p0 =	sgt.s32 s26, $0x7F;
	s2 =	ssub.s32 $0x4000, s2;
	p1 =	sgt.s32 s28, $0x7F  }
0x5c: {  	s0 =	ssub.s32 $0x6, s0;
	s1 =	simm.s32 @p0 $0x0;
	s2 =	simm.s32 @p1 $0x0  }
0x5d: {  	p0 =	sgt.s32 s27, $0x0;
	s21 =	smul.u32 s1, s2;
	s1 =	sadd.s32 $0x1, s13  }
0x5e: {  	s0 =	simm.s32 @p0 $0x0;
	s2 =	sadd.s32 $0x80, s11;
	p0 =	slt.s32 s1, $0x6  }
0x5f: {  	s1 =	simm.s32 @!p0 $0x6;
	p0 =	slt.s32 s2, $0xC8  }
0x60: {  	s23 =	ssub.s32 s1, s13;
	s2 =	simm.s32 @!p0 $0xC8  }
0x61: {  	s24 =	ssub.s32 s2, s11;
	p0 =	slt.s32 s23, $0x1  }
0x62: {  	p1 =	slt.s32 @!p0 s24, $0x1  }
0x63: {  	s0 =	smul.u32 s0, s21;
	p1 =	por p0, p1  }
.Ltmp3:
0x64: {  	_ = 	snop;
	(pc) =	sbr.rel @p1 .LBB1_14-.Ltmp3, $4  }
0x65: {  	s30 =	simm.s32 $0x1;
	s0 =	sand.u32 $0x3FFFFFFF, s0  }
0x66: {  	_ =	swait.ge [sflag:s30], s0  }
0x67: {  	s31 =	sshll.u32 s16, $0xE;
	s29 =	ssub.s32 $0x0, s0;
	[sflag:s30] =	ssyncset.done $0x0  }
0x68: {  	s22 =	sand.u32 $0x4000, s31;
	[sflag:s30] =	ssyncadd.s32 s29  }
0x69: {  	s0 =	sadd.s32 $0x80, s10  }
0x6a: {  	p1 =	slt.s32 s0, $0x4000  }
.Ltmp4:
0x6b: {  	s0 =	simm.s32 @!p1 $0x4000;
	(pc) =	sbr.rel .LBB1_4-.Ltmp4, $4  }
0x6c: {  	s0 =	ssub.s32 s0, s10  }
0x6d: {  	s27 =	sor.u32 @!p0 $0x8000, s22;
	s29 =	simm.s32 $0x0;
	s0 =	sadd.s32 $0xF, s0  }
0x6e: {  	s25 =	sand.u32 $0xFFFFFFF0, s0;
	s1 =	sshll.u32 s0, $0x3;
	s26 =	sand.u32 @!p0 $0xFFFFFF00, s0  }
0x6f: {  	p0 =	slt.s32 s0, $0x100;
	s28 =	sand.u32 $0xFFFFF800, s1;
	p1 =	sge.s32 s26, s25  }
.LBB1_13:
0x70: {  	s29 =	sadd.s32 $0x1, s29  }
0x71: {  	p2 =	sne.s32 s29, s23  }
.Ltmp5:
0x72: {  	_ = 	snop;
	(pc) =	sbr.rel @!p2 .LBB1_14-.Ltmp5, $1  }
0x73: {  	_ =	sdelay $0x3  }
.LBB1_4:
.Ltmp6:
0x74: {  	(pc) =	sbr.rel .LBB1_5-.Ltmp6, $4  }
0x75: {  	s0 =	sshll.u32 s29, $0x10  }
0x76: {  	s1 =	sshll.u32 s29, $0x7;
	s0 =	sshra.s32 s0, $0x2  }
0x77: {  	s9 =	simm.s32 $0x0;
	s1 =	sand.u32 $0x380, s1;
	s30 =	sadd.s32 s0, s22  }
0x78: {  	s31 =	sadd.s32 s1, s27;
	s1 =	sand.u32 $0x7, s29;
	s0 =	simm.s32 $0x400  }
.LBB1_12:
0x79: {  	s9 =	sadd.s32 $0x1, s9  }
0x7a: {  	p2 =	sne.s32 s9, s24  }
.Ltmp7:
0x7b: {  	_ = 	snop;
	(pc) =	sbr.rel @!p2 .LBB1_13-.Ltmp7, $2  }
0x7c: {  	_ =	sdelay $0x2  }
0x7d: {  	s0 =	sadd.s32 $0x80, s0  }
.LBB1_5:
.Ltmp8:
0x7e: {  	(pc) =	sbr.rel @p0 .LBB1_9-.Ltmp8, $2  }
0x7f: {  	_ =	sdelay $0x2  }
0x80: {  	s4 =	sshll.u32 s9, $0x7  }
0x81: {  	s2 =	sand.u32 $0x380, s4  }
0x82: {  	s2 =	sadd.s32 s2, s30  }
0x83: {  	v0 =	vmov s2;
	_ =	sdelay $0x3  }
0x84: {  	s3 =	sand.u32 $0x3C00, s0  }
0x85: {  	v7 =	vld.idx.msk [tilespmem:v0+s3+$0x70 ss:$0x1], $0xffff  }
0x86: {  	p2 =	sgt.s32 s26, $0x100;
	v6 =	vld.idx.msk [tilespmem:v0+s3+$0x0 ss:$0x1], $0xffff  }
.Ltmp9:
0x87: {  	v1 =	vld.idx.msk [tilespmem:v0+s3+$0x10 ss:$0x1], $0xffff;
	(pc) =	sbr.rel @!p2 .LBB1_8-.Ltmp9, $4  }
0x88: {  	v2 =	vld.idx.msk [tilespmem:v0+s3+$0x20 ss:$0x1], $0xffff  }
0x89: {  	v3 =	vld.idx.msk [tilespmem:v0+s3+$0x30 ss:$0x1], $0xffff  }
0x8a: {  	s5 =	sadd.s32 s4, s31;
	v4 =	vld.idx.msk [tilespmem:v0+s3+$0x40 ss:$0x1], $0xffff  }
0x8b: {  	s8 =	simm.s32 $0x100;
	s2 =	sadd.s32 $0x800, s0;
	v5 =	vld.idx.msk [tilespmem:v0+s3+$0x50 ss:$0x1], $0xffff;
	[tilespmem:s5+$0x70] =	vst v7  }
.LBB1_7:
0x8c: {  	s8 =	sadd.s32 $0x100, s8;
	[tilespmem:s5+$0x0] =	vst v6;
	v7 =	vld.idx.msk [tilespmem:v0+s3+$0x60 ss:$0x1], $0xffff;
	s3 =	sand.u32 $0x3C00, s2  }
0x8d: {  	v8 =	vld.idx.msk [tilespmem:v0+s3+$0x70 ss:$0x1], $0xffff;
	p2 =	slt.s32 s8, s26;
	[tilespmem:s5+$0x10] =	vst v1  }
0x8e: {  	v6 =	vld.idx.msk [tilespmem:v0+s3+$0x0 ss:$0x1], $0xffff;
	[tilespmem:s5+$0x20] =	vst v2  }
.Ltmp10:
0x8f: {  	v1 =	vld.idx.msk [tilespmem:v0+s3+$0x10 ss:$0x1], $0xffff;
	[tilespmem:s5+$0x30] =	vst v3;
	(pc) =	sbr.rel @p2 .LBB1_7-.Ltmp10, $4  }
0x90: {  	v2 =	vld.idx.msk [tilespmem:v0+s3+$0x20 ss:$0x1], $0xffff;
	[tilespmem:s5+$0x40] =	vst v4  }
0x91: {  	v3 =	vld.idx.msk [tilespmem:v0+s3+$0x30 ss:$0x1], $0xffff;
	[tilespmem:s5+$0x50] =	vst v5  }
0x92: {  	v4 =	vld.idx.msk [tilespmem:v0+s3+$0x40 ss:$0x1], $0xffff;
	[tilespmem:s5+$0x60] =	vst v7  }
0x93: {  	s2 =	sadd.s32 $0x800, s2;
	v5 =	vld.idx.msk [tilespmem:v0+s3+$0x50 ss:$0x1], $0xffff;
	[tilespmem:s5+$0x70] =	vst v8  }
.LBB1_8:
0x94: {  	_ =	sdelay $0x2  }
0x95: {  	[tilespmem:s5+$0x0] =	vst v6  }
0x96: {  	v0 =	vld.idx.msk [tilespmem:v0+s3+$0x60 ss:$0x1], $0xffff;
	[tilespmem:s5+$0x10] =	vst v1  }
0x97: {  	[tilespmem:s5+$0x20] =	vst v2  }
0x98: {  	[tilespmem:s5+$0x30] =	vst v3  }
0x99: {  	[tilespmem:s5+$0x40] =	vst v4  }
0x9a: {  	[tilespmem:s5+$0x50] =	vst v5  }
0x9b: {  	[tilespmem:s5+$0x60] =	vst v0  }
.LBB1_9:
.Ltmp11:
0x9c: {  	(pc) =	sbr.rel @p1 .LBB1_12-.Ltmp11, $1  }
0x9d: {  	_ =	sdelay $0x3  }
0x9e: {  	s2 =	sadd.s32 s1, s9  }
0x9f: {  	s2 =	sshll.u32 s2, $0x9  }
0xa0: {  	s2 =	sshra.s32 s2, $0x2  }
0xa1: {  	s3 =	sand.u32 $0x380, s4;
	s5 =	sadd.s32 s2, s27  }
0xa2: {  	s2 =	sadd.s32 s3, s30;
	s3 =	smov.u32 s28;
	v0 =	vmov s5;
	s5 =	smov.u32 s26  }
.LBB1_11:
0xa3: {  	s8 =	sand.u32 $0x3C00, s3  }
0xa4: {  	s8 =	sadd.s32 s4, s8  }
0xa5: {  	s8 =	sand.u32 $0x3C00, s8  }
0xa6: {  	s7 =	sand.u32 $0x70, s5;
	s8 =	sadd.s32 s8, s2  }
0xa7: {  	s5 =	sadd.s32 $0x10, s5;
	s8 =	sadd.s32 s7, s8  }
0xa8: {  	p2 =	slt.s32 s5, s25;
	v1 =	vld [tilespmem:s8+$0x0]  }
.Ltmp12:
0xa9: {  	_ = 	snop;
	(pc) =	sbr.rel @p2 .LBB1_11-.Ltmp12, $2  }
0xaa: {  	_ =	sdelay $0x2  }
0xab: {  	s3 =	sadd.s32 $0x80, s3;
	[tilespmem:v0+s7+$0x0 ss:$0x1] =	vst.idx.msk $0xffff, v1  }
.Ltmp13:
0xac: {  	_ = 	snop;
	(pc) =	sbr.rel .LBB1_12-.Ltmp13, $1  }
0xad: {  	_ =	sdelay $0x3  }
.LBB1_16:
0xae: {  	_ =	sfence.sel $0x180000  }
0xaf: {  	s0 =	simm.s32 $0x1;
	[bflag:$0x0] =	sbarrier.arrive $0xFFFF  }
0xb0: {  	s30 =	simm.s32 $0x2;
	[sflag:s0] =	ssyncpa.u1 $0x1  }
0xb1: {  	[sflag:s30] =	ssyncpa.u1 $0x1  }
0xb2: {  	_ =	strace $0x90000047  }
0xb3: {  	s31 =	stileid.u32;
	[bflag:$0x2] =	sbarrier.arrive $0xFFFF  }
0xb4: {  	p0 =	sne.s32 s31, $0x0;
	s0 =	rddreg [dreg:$0x1]  }
0xb5: {  	s0 =	sadd.s32 @!p0 $0x100000, s0  }
0xb6: {  	[sflag:s0] =	ssyncadd.tile.s32 @!p0 $0x1;
	_ =	shalt  }
.Lfunc_end1:
_tile_overlayer_lowered:
.L_overlay_start_2:
0xb7: {  	(tag) =	ssettag $0x2  }
0xb8: {  	s0 =	rddreg [dreg:$0x0];
	s2 =	stileid.u32  }
0xb9: {  	s1 =	rddreg [dreg:$0x1];
	p0 =	sne.s32 s2, $0x0  }
0xba: {  	s3 =	rddreg [dreg:$0x2];
	[bflag:$0x3] =	sbarrier.arrive $0xFFFF;
	s2 =	simm.s32 @!p0 $0x1C01  }
0xbb: {  	[timem:s3], [sflag:s2] =	dma.local @!p0 [hbm:s0], s1  }
0xbc: {  	s0 =	simm.s32 @!p0 $0x1  }
0xbd: {  	_ =	swait.ge @!p0 [sflag:s0], s1  }
0xbe: {  	s1 =	ssub.s32 @!p0 $0x0, s1;
	[sflag:s0] =	ssyncset.done @!p0 $0x0  }
0xbf: {  	[sflag:s0] =	ssyncadd.s32 @!p0 s1  }
0xc0: {  	[bflag:$0x3] =	sbarrier.arrive $0xFFFF  }
0xc1: {  	_ =	shalt  }

// kernel: sparse-core-data-format-call.cloned.1.call-start
scs
called_computation_lowered:
.L_overlay_start_0:
0x0: {  	s2 =	sld [smem:$0x3FD9]  }
0x1: {  	s3 =	sld [smem:$0x3FFE];
	_ =	sdelay $0x1  }
0x2: {  	s1 =	srdreg.scid  }
0x3: {  	s0 =	sand.u32 $0x1, s1  }
0x4: {  	s18 =	sshll.u32 s0, $0xA;
	s2 =	sadd.s32 s3, s2  }
0x5: {  	s2 =	sadd.s32 s2, s18  }
0x6: {  	[smem:$0x3FC3] =	sst s2  }
0x7: {  	_ = 	snop  }
0x8: {  	s2 =	sld [smem:$0x3FD0];
	(tm) =	ssettm $0x1  }
0x9: {  	s19 =	sld [smem:$0x3FFB];
	_ =	sdelay $0x3  }
0xa: {  	_ =	strace s19  }
0xb: {  	s3 =	sld [smem:$0x3FFC];
	_ =	sdelay $0x3  }
0xc: {  	_ =	strace s3  }
0xd: {  	s3 =	sld [smem:$0x3FFD];
	_ =	sdelay $0x3  }
0xe: {  	_ =	strace s3  }
0xf: {  	_ =	strace $0x8FFFFFFF  }
0x10: {  	s20 =	sld [smem:$0x3FDB];
	_ =	sdelay $0x1  }
0x11: {  	s4 =	simm.s32 $_scs_section_size  }
0x12: {  	s5 =	simm.s32 $_size__tile_overlayer_lowered;
	s6 =	simm.s32 $_tile_overlayer_lowered  }
0x13: {  	s23 =	simm.s32 $0x1BFF;
	s22 =	sshll.u32 s6, $0x1;
	s3 =	sadd.s32 s4, s20  }
0x14: {  	s7 =	simm.s32 $0x0;
	s21 =	sshll.u32 s5, $0x1;
	s5 =	sadd.s32 s22, s3  }
0x15: {  	[timem:s7], [sflag:s23] =	dma.local [hbm:s5], s21  }
0x16: {  	_ =	swait.ge [sflag:s23], s21  }
0x17: {  	s4 =	ssub.s32 $0x0, s21;
	[sflag:s23] =	ssyncset.done $0x0  }
0x18: {  	[sflag:s23] =	ssyncadd.s32 s4;
	_ =	sdelay $0x1  }
0x19: {  	s24 =	simm.s32 $0x1B8B  }
0x1a: {  	_ =	swait.ge [sflag:s24], $0x1  }
0x1b: {  	[sflag:s24] =	ssyncset.done $0x0  }
0x1c: {  	s26 =	simm.s32 $0x1B8E;
	s25 =	sld [smem:$0x3FFE];
	[sflag:s24] =	ssyncadd.s32 $0xFFFFFFFF  }
0x1d: {  	s27 =	simm.s32 $execute0_lowered;
	[smem:$0x3FD2] =	sst s26  }
0x1e: {  	s5 =	sshll.u32 s27, $0x1;
	_ =	strace $0x80000059;
	[dreg:$0x1] =	wrdreg $0xFFFFFFFF  }
0x1f: {  	s28 =	simm.s32 $_size_execute0_lowered;
	s3 =	sadd.s32 s3, s5;
	[dreg:$0x0] =	wrdreg $0x0  }
0x20: {  	s5 =	sshll.u32 s28, $0x1;
	[dreg:$0x2] =	wrdreg s3  }
0x21: {  	[dreg:$0x3] =	wrdreg s5  }
0x22: {  	[dreg:$0x4] =	wrdreg $0xC0  }
0x23: {  	_ =	task [dreg:s7], $0x5FFFF  }
0x24: {  	[dreg:$0x1] =	wrdreg $0xFFFFFFFF  }
0x25: {  	[dreg:$0x0] =	wrdreg $0x60  }
0x26: {  	[dreg:$0x2] =	wrdreg s25  }
0x27: {  	[dreg:$0x3] =	wrdreg s2  }
0x28: {  	[dreg:$0x4] =	wrdreg $0x9  }
0x29: {  	_ =	task.clear_ibuf [dreg:s7], $0x5FFFF;
	_ =	strace $0x90000059  }
0x2a: {  	s29 =	simm.s32 $0x9;
	_ =	strace $0x8000005B  }
0x2b: {  	_ =	swait.ge [sflag:s29], $0x1  }
0x2c: {  	[sflag:s29] =	ssyncadd.s32 $0xFFFFFFFF  }
0x2d: {  	_ =	strace $0x9000005B  }
0x2e: {  	_ =	sfence  }
0x2f: {  	s30 =	sld [smem:$0x0];
	_ =	sdelay $0x2  }
0x30: {  	s31 =	sshll.u32 s1, $0xD;
	s1 =	sshrl.u32 s1, $0x2  }
0x31: {  	s3 =	sand.u32 $0x4000, s31;
	s1 =	sadd.s32 s1, s30  }
0x32: {  	s0 =	sor.u32 s3, s0;
	s1 =	sshll.u32 s1, $0x11  }
0x33: {  	s0 =	sor.u32 s1, s0  }
0x34: {  	s0 =	sadd.s32 $0x8F2B, s0  }
0x35: {  	[sflag:s0] =	ssyncadd.remote.s32 $0x1  }
0x36: {  	_ =	sfence.sel $0xFFFF  }
0x37: {  	[dreg:$0x0] =	wrdreg $0xFFFFFFFF;
	(pc) =	sbr.abs _section_cstart, $3  }
0x38: {  	[dreg:$0x1] =	wrdreg $0xFFFFFFFF  }
0x39: {  	_ =	task.clear_ibuf [dreg:s7], $0x2FFFF;
	_ =	strace $0x9FFFFFFF  }
0x3a: {  	(tm) =	ssettm $0x7FFFFFFF  }
0x3b: {  	_ =	shalt  }
tec
execute0_lowered:
.L_overlay_start_1:
0x0: {  	(tag) =	ssettag $0x1  }
0x1: {  	s3 =	stileid.u32  }
0x2: {  	s0 =	srdreg.scid;
	s28 =	rddreg [dreg:$0x0];
	_ =	strace $0x8000005A  }
0x3: {  	s29 =	simm.s32 $0x1;
	s1 =	sshll.u32 s3, $0x6;
	s0 =	sshll.u32 s0, $0xA  }
0x4: {  	s31 =	simm.s32 $0x2;
	s17 =	simm.s32 $0x0;
	s0 =	sor.u32 s1, s0  }
0x5: {  	s19 =	simm.s32 $0x0;
	s18 =	simm.s32 $0x0;
	s5 =	sand.u32 $0x780, s0  }
0x6: {  	s10 =	simm.s32 $0x0;
	s11 =	simm.s32 $0x0;
	s0 =	ssub.s32 $0x4000, s5  }
0x7: {  	s13 =	simm.s32 $0x0;
	s6 =	sadd.s32 $0x1C00, s28;
	s2 =	sand.u32 $0x780, s0  }
0x8: {  	s30 =	sshll.u32 s3, $0x7;
	p0 =	sne.s32 s2, $0x0;
	s2 =	simm.s32 $0x1  }
0x9: {  	s8 =	sand.u32 $0x80, s30;
	s0 =	sshrl.u32 s0, $0xB;
	s2 =	simm.s32 @!p0 $0x0  }
.Ltmp0:
0xa: {  	[dreg:$0x4] =	wrdreg s6;
	s0 =	sadd.s32 s2, s0;
	(pc) =	sbr.rel .LBB1_1-.Ltmp0, $4  }
0xb: {  	s14 =	simm.s32 $0x0;
	[dreg:$0x6] =	wrdreg s8;
	s7 =	smul.u32 $0x6, s0  }
0xc: {  	s16 =	simm.s32 $0x0;
	[sflag:s29] =	ssyncpa.u1 $0x0;
	[dreg:$0x3] =	wrdreg s5  }
0xd: {  	[sflag:s31] =	ssyncpa.u1 $0x0;
	s9 =	sor.u32 $0x1, s7;
	[dreg:$0x5] =	wrdreg s7  }
0xe: {  	s15 =	smov.u32 s8;
	s12 =	smov.u32 s5;
	[dreg:$0x7] =	wrdreg s9  }
.LBB1_14:
0xf: {  	p0 =	sgt.s32 s11, $0x5;
	s0 =	smov.u32 s11;
	s1 =	sshll.u32 s13, $0xE  }
0x10: {  	s2 =	sshll.u32 s10, $0x3;
	s4 =	sshll.u32 s13, $0x7;
	s5 =	sand.u32 $0x78, s10  }
0x11: {  	s25 =	smul.u32 $0x64000, s11;
	s26 =	rddreg [dreg:$0x1];
	s27 =	sand.u32 $0x7, s10  }
0x12: {  	s29 =	sor.u32 $0x8000, s23;
	s31 =	simm.s32 $0x20000;
	s0 =	simm.s32 @!p0 $0x5  }
0x13: {  	s6 =	rddreg [dreg:$0x4];
	s1 =	sand.u32 $0xFFFE0000, s1;
	s0 =	sadd.s32 s22, s0  }
0x14: {  	s7 =	rddreg [dreg:$0x5];
	s1 =	sadd.s32 s1, s2;
	s3 =	sadd.s32 $0xFFFFFFFB, s0  }
0x15: {  	s1 =	sshrl.u32 s1, $0xE;
	s0 =	ssub.s32 $0x6, s0;
	p0 =	sgt.s32 s3, $0x0  }
0x16: {  	s4 =	sand.u32 $0x380, s4;
	s24 =	smulhi.u32 $0x147AE15, s1;
	s0 =	simm.s32 @p0 $0x0  }
0x17: {  	s2 =	sand.u32 $0x3C00, s2;
	s4 =	sor.u32 s4, s5;
	s0 =	smul.u32 s20, s0  }
0x18: {  	s8 =	rddreg [dreg:$0x6];
	s2 =	sor.u32 s2, s4;
	s3 =	smul.u32 $0xC8, s24  }
0x19: {  	s9 =	rddreg [dreg:$0x7];
	s28 =	sshll.u32 s27, $0x12;
	s2 =	sshrl.u32 s2, $0x3  }
0x1a: {  	s0 =	smul.u32 s21, s0;
	s1 =	ssub.s32 s1, s3;
	s3 =	sadd.s32 s26, s25  }
0x1b: {  	s30 =	sor.u32 $0x400, s28;
	s1 =	sshll.u32 s1, $0xB;
	s2 =	sadd.s32 s2, s3  }
0x1c: {  	s5 =	rddreg [dreg:$0x3];
	s0 =	sand.u32 $0x3FFFFFFF, s0;
	s1 =	sadd.s32 s1, s2  }
0x1d: {  	[hbm4b:s1+s30] =	stream.strided.scatter [tilespmem:s29], [sflag:$0x2], s0, s31, s30, $0x38;
	[tilespmem:$0x10000] =	vst v63  }
.LBB1_15:
0x1e: {  	p0 =	slt.u32 s16, $0x2  }
0x1f: {  	p1 =	sgt.s32 @!p0 s19, $0x5  }
0x20: {  	s0 =	smov.u32 s19;
	s1 =	sshra.s32 @!p0 s19, $0x1F;
	p1 =	por !p1, p0  }
0x21: {  	s1 =	sand.u32 @!p0 s1, s19;
	s0 =	simm.s32 @p1 $0x5;
	p1 =	sgt.s32 @!p0 s18, $0x48  }
0x22: {  	s2 =	smov.u32 s18;
	s0 =	ssub.s32 @!p0 s0, s1;
	p1 =	por !p1, p0  }
0x23: {  	s3 =	sshra.s32 @!p0 s18, $0x1F;
	s1 =	sadd.s32 @!p0 $0xFFFFFFFB, s0;
	s2 =	simm.s32 @p1 $0x48  }
0x24: {  	p1 =	sgt.s32 @!p0 s17, $0x3F80;
	p2 =	sgt.s32 @!p0 s1, $0x0;
	s1 =	sand.u32 @!p0 s3, s18  }
0x25: {  	s0 =	ssub.s32 @!p0 $0x6, s0;
	p1 =	por !p1, p0;
	s1 =	ssub.s32 @!p0 s2, s1  }
0x26: {  	s3 =	smov.u32 s17;
	p2 =	por !p2, p0;
	s2 =	sadd.s32 @!p0 $0xFFFFFFB8, s1  }
0x27: {  	s3 =	simm.s32 @p1 $0x3F80;
	p1 =	sgt.s32 @!p0 s2, $0x7F;
	s2 =	sshra.s32 @!p0 s17, $0x1F  }
0x28: {  	s1 =	ssub.s32 @!p0 $0xC8, s1;
	p1 =	por !p1, p0;
	s2 =	sand.u32 @!p0 s2, s17  }
0x29: {  	s0 =	simm.s32 @!p2 $0x0;
	s1 =	simm.s32 @!p1 $0x0;
	s2 =	ssub.s32 @!p0 s3, s2  }
0x2a: {  	s0 =	smul.u32 @!p0 s1, s0;
	s1 =	sadd.s32 @!p0 $0xFFFFC080, s2  }
0x2b: {  	p1 =	sgt.s32 @!p0 s1, $0x7F;
	s1 =	ssub.s32 @!p0 $0x4000, s2;
	s2 =	sadd.s32 $0x800, s12  }
0x2c: {  	s3 =	simm.s32 $0x1;
	p1 =	por !p1, p0;
	p2 =	sgt.s32 s2, $0x3FFF  }
0x2d: {  	s1 =	simm.s32 @!p1 $0x0;
	s3 =	simm.s32 @!p2 $0x0  }
0x2e: {  	s0 =	smul.u32 @!p0 s1, s0;
	s1 =	sadd.s32 s3, s14  }
0x2f: {  	s4 =	smov.u32 s15;
	s3 =	sadd.s32 $0x100, s15;
	p1 =	sgt.s32 s1, $0x5  }
0x30: {  	s19 =	smov.u32 s11;
	s4 =	smov.u32 @p1 s3  }
0x31: {  	s11 =	smov.u32 s14;
	s1 =	simm.s32 @p1 $0x0;
	p1 =	sgt.s32 s4, $0xC7  }
0x32: {  	s18 =	smov.u32 s13;
	s4 =	smov.u32 @p1 s8;
	p1 =	sne.s32 s16, s9  }
.Ltmp1:
0x33: {  	s13 =	smov.u32 s15;
	s17 =	smov.u32 s10;
	(pc) =	sbr.rel @!p1 .LBB1_16-.Ltmp1, $4  }
0x34: {  	s2 =	smov.u32 @p2 s5;
	s0 =	sand.u32 @!p0 $0x3FFFFFFF, s0;
	s3 =	simm.s32 @!p0 $0x2  }
0x35: {  	s10 =	smov.u32 s12;
	s12 =	smov.u32 s2;
	_ =	swait.ge @!p0 [sflag:s3], s0  }
0x36: {  	s0 =	ssub.s32 @!p0 $0x0, s0;
	s14 =	smov.u32 s1;
	[sflag:s3] =	ssyncset.done @!p0 $0x0  }
0x37: {  	s16 =	sadd.s32 $0x1, s16;
	[sflag:s3] =	ssyncadd.s32 @!p0 s0;
	s15 =	smov.u32 s4  }
.LBB1_1:
0x38: {  	p0 =	sge.u32 s16, s7  }
0x39: {  	s2 =	smov.u32 s15;
	s31 =	sadd.s32 $0xFFFFFFFF, s16;
	s0 =	sand.u32 @!p0 $0x78, s12  }
0x3a: {  	p1 =	sgt.s32 @!p0 s15, $0x48;
	s1 =	sshll.u32 @!p0 s14, $0x7;
	s3 =	sshra.s32 @!p0 s15, $0x1F  }
0x3b: {  	p1 =	por !p1, p0;
	s1 =	sand.u32 @!p0 $0x380, s1;
	s3 =	sand.u32 @!p0 s3, s15  }
0x3c: {  	s2 =	simm.s32 @p1 $0x48;
	s0 =	sor.u32 @!p0 s1, s0;
	p1 =	sgt.s32 @!p0 s14, $0x7  }
0x3d: {  	s1 =	ssub.s32 @!p0 s2, s3;
	p1 =	por !p1, p0;
	s3 =	smov.u32 s14  }
0x3e: {  	s4 =	sshra.s32 @!p0 s14, $0x1F;
	s2 =	sadd.s32 @!p0 $0xFFFFFFB8, s1;
	s3 =	simm.s32 @p1 $0x7  }
0x3f: {  	p1 =	sgt.s32 @!p0 s12, $0x3F80;
	p2 =	sgt.s32 @!p0 s2, $0x7F;
	s2 =	sand.u32 @!p0 s4, s14  }
0x40: {  	s1 =	ssub.s32 @!p0 $0xC8, s1;
	p1 =	por !p1, p0;
	s2 =	ssub.s32 @!p0 s3, s2  }
0x41: {  	s4 =	smov.u32 s12;
	p2 =	por !p2, p0;
	s3 =	sadd.s32 @!p0 $0xFFFFFFF9, s2  }
0x42: {  	s4 =	simm.s32 @p1 $0x3F80;
	p1 =	sgt.s32 @!p0 s3, $0x0;
	s3 =	sshra.s32 @!p0 s12, $0x1F  }
0x43: {  	s2 =	ssub.s32 @!p0 $0x8, s2;
	p1 =	por !p1, p0;
	s3 =	sand.u32 @!p0 s3, s12  }
0x44: {  	s1 =	simm.s32 @!p2 $0x0;
	s2 =	simm.s32 @!p1 $0x0;
	s3 =	ssub.s32 @!p0 s4, s3  }
0x45: {  	s4 =	sxor.u32 @!p0 $0xFFFFFFFF, s16;
	s1 =	smul.u32 @!p0 s1, s2;
	s2 =	sadd.s32 @!p0 $0xFFFFC080, s3  }
0x46: {  	s4 =	sshll.u32 @!p0 s4, $0xE;
	p1 =	sgt.s32 @!p0 s2, $0x7F;
	s2 =	sshll.u32 @!p0 s12, $0x3  }
0x47: {  	s3 =	ssub.s32 @!p0 $0x4000, s3;
	s2 =	sand.u32 @!p0 $0x3C00, s2;
	p1 =	por !p1, p0  }
0x48: {  	s0 =	sor.u32 @!p0 s2, s0;
	s3 =	simm.s32 @!p1 $0x0;
	s2 =	sshll.u32 @!p0 s15, $0xE  }
0x49: {  	s1 =	smul.u32 @!p0 s3, s1;
	s3 =	sand.u32 @!p0 $0x3800, s12;
	s2 =	sadd.s32 @!p0 s6, s2  }
0x4a: {  	s4 =	sand.u32 @!p0 $0x4000, s4;
	s2 =	sadd.s32 @!p0 s3, s2;
	s3 =	sand.u32 @!p0 $0x7, s12  }
0x4b: {  	s0 =	sshrl.u32 @!p0 s0, $0x3;
	s1 =	sand.u32 @!p0 $0x3FFFFFFF, s1;
	s3 =	sshll.u32 @!p0 s3, $0x12  }
0x4c: {  	s0 =	sadd.s32 @!p0 s0, s2;
	s2 =	sor.u32 @!p0 $0x80, s3;
	s3 =	simm.s32 @!p0 $0x20000  }
0x4d: {  	[tilespmem:s4], [sflag:$0x1] =	stream.strided.gather @!p0 [hbm4b:s0+s2], s1, s3, s2, $0x38;
	[tilespmem:$0x10000] =	vst v63  }
0x4e: {  	p0 =	sge.u32 s31, s7  }
.Ltmp2:
0x4f: {  	_ = 	snop;
	(pc) =	sbr.rel @p0 .LBB1_15-.Ltmp2, $1  }
0x50: {  	_ =	sdelay $0x3  }
0x51: {  	p0 =	sgt.s32 s13, $0x48;
	s0 =	smov.u32 s13  }
0x52: {  	s1 =	sshra.s32 s13, $0x1F;
	s23 =	ssub.s32 $0x0, s11;
	s2 =	sshra.s32 s11, $0x1F  }
0x53: {  	p1 =	sgt.s32 s10, $0x3F80;
	s3 =	smov.u32 s10;
	s4 =	sshra.s32 s10, $0x1F  }
0x54: {  	s5 =	smov.u32 s11;
	s0 =	simm.s32 @!p0 $0x48;
	s1 =	sand.u32 s1, s13  }
0x55: {  	s3 =	simm.s32 @!p1 $0x3F80;
	p1 =	sgt.s32 s11, $0x7;
	s4 =	sand.u32 s4, s10  }
0x56: {  	s22 =	sand.u32 s23, s2;
	s2 =	sadd.s32 $0x80, s13;
	s0 =	ssub.s32 s0, s1  }
0x57: {  	s5 =	simm.s32 @!p1 $0x7;
	s24 =	ssub.s32 s3, s4;
	s3 =	sadd.s32 $0x1, s11  }
0x58: {  	s1 =	sadd.s32 $0xFFFFFFB8, s0;
	s20 =	ssub.s32 $0xC8, s0;
	s25 =	sadd.s32 s22, s5  }
0x59: {  	s26 =	sadd.s32 $0xFFFFC080, s24;
	p0 =	sgt.s32 s1, $0x7F;
	s27 =	sadd.s32 $0xFFFFFFF9, s25  }
0x5a: {  	s0 =	ssub.s32 $0x8, s25;
	s20 =	simm.s32 @p0 $0x0;
	p0 =	sgt.s32 s27, $0x0  }
0x5b: {  	s21 =	ssub.s32 $0x4000, s24;
	s0 =	simm.s32 @p0 $0x0;
	p0 =	slt.s32 s2, $0xC8  }
0x5c: {  	p1 =	sgt.s32 s26, $0x7F;
	s2 =	simm.s32 @!p0 $0xC8;
	p0 =	slt.s32 s3, $0x6  }
0x5d: {  	s21 =	simm.s32 @p1 $0x0;
	s24 =	ssub.s32 s2, s13;
	s3 =	simm.s32 @!p0 $0x6  }
0x5e: {  	s28 =	smul.u32 s20, s21;
	s25 =	ssub.s32 s3, s11;
	p0 =	slt.s32 s24, $0x1  }
0x5f: {  	p1 =	slt.s32 @!p0 s25, $0x1  }
0x60: {  	s0 =	smul.u32 s0, s28;
	p1 =	por p0, p1  }
.Ltmp3:
0x61: {  	_ = 	snop;
	(pc) =	sbr.rel @p1 .LBB1_14-.Ltmp3, $4  }
0x62: {  	s30 =	simm.s32 $0x1;
	s0 =	sand.u32 $0x3FFFFFFF, s0  }
0x63: {  	_ =	swait.ge [sflag:s30], s0  }
0x64: {  	s31 =	sshll.u32 s16, $0xE;
	s29 =	ssub.s32 $0x0, s0;
	[sflag:s30] =	ssyncset.done $0x0  }
0x65: {  	s23 =	sand.u32 $0x4000, s31;
	[sflag:s30] =	ssyncadd.s32 s29  }
0x66: {  	s0 =	sadd.s32 $0x80, s10  }
0x67: {  	p1 =	slt.s32 s0, $0x4000  }
.Ltmp4:
0x68: {  	s0 =	simm.s32 @!p1 $0x4000;
	(pc) =	sbr.rel .LBB1_4-.Ltmp4, $4  }
0x69: {  	s28 =	sor.u32 @!p0 $0x8000, s23;
	s0 =	ssub.s32 s0, s10  }
0x6a: {  	s30 =	simm.s32 $0x0;
	s7 =	simm.s32 $0x400;
	s0 =	sadd.s32 $0xF, s0  }
0x6b: {  	s26 =	sand.u32 $0xFFFFFFF0, s0;
	s27 =	sand.u32 @!p0 $0xFFFFFF00, s0;
	s1 =	sshll.u32 s0, $0x3  }
0x6c: {  	p0 =	slt.s32 s0, $0x100;
	s29 =	sand.u32 $0xFFFFF800, s1;
	p1 =	sge.s32 s27, s26  }
.LBB1_13:
0x6d: {  	s30 =	sadd.s32 $0x1, s30  }
0x6e: {  	p2 =	sne.s32 s30, s24  }
.Ltmp5:
0x6f: {  	_ = 	snop;
	(pc) =	sbr.rel @!p2 .LBB1_14-.Ltmp5, $2  }
0x70: {  	_ =	sdelay $0x2  }
0x71: {  	s7 =	sadd.s32 $0x80, s7  }
.LBB1_4:
.Ltmp6:
0x72: {  	(pc) =	sbr.rel .LBB1_5-.Ltmp6, $4  }
0x73: {  	_ = 	snop  }
0x74: {  	s1 =	sshll.u32 s30, $0x7  }
0x75: {  	s2 =	sand.u32 $0x380, s1  }
0x76: {  	s9 =	simm.s32 $0x0;
	s0 =	sadd.s32 s1, s23;
	s3 =	sadd.s32 s2, s28  }
.LBB1_12:
0x77: {  	s9 =	sadd.s32 $0x1, s9  }
0x78: {  	p2 =	sne.s32 s9, s25  }
.Ltmp7:
0x79: {  	_ = 	snop;
	(pc) =	sbr.rel @!p2 .LBB1_13-.Ltmp7, $1  }
0x7a: {  	_ =	sdelay $0x3  }
.LBB1_5:
.Ltmp8:
0x7b: {  	(pc) =	sbr.rel @p0 .LBB1_9-.Ltmp8, $2  }
0x7c: {  	_ =	sdelay $0x2  }
0x7d: {  	s5 =	sshll.u32 s9, $0x10  }
0x7e: {  	s2 =	sshll.u32 s9, $0x7  }
0x7f: {  	s4 =	sshra.s32 s5, $0x2;
	s2 =	sand.u32 $0x380, s2  }
0x80: {  	s8 =	sadd.s32 s4, s3;
	s4 =	sadd.s32 s2, s0  }
0x81: {  	v0 =	vmov s8;
	v6 =	vld [tilespmem:s4+$0x70]  }
0x82: {  	v7 =	vld [tilespmem:s4+$0x0]  }
0x83: {  	v8 =	vld [tilespmem:s4+$0x10]  }
0x84: {  	v1 =	vld [tilespmem:s4+$0x20]  }
0x85: {  	s6 =	sadd.s32 $0xFFFFFC00, s7;
	s8 =	sand.u32 $0x3C00, s7;
	v2 =	vld [tilespmem:s4+$0x30]  }
0x86: {  	s2 =	sand.u32 $0x3C00, s6;
	v3 =	vld [tilespmem:s4+$0x40];
	[tilespmem:v0+s8+$0x70 ss:$0x1] =	vst.idx.msk $0xffff, v6  }
0x87: {  	v5 =	vld [tilespmem:s4+$0x50];
	[tilespmem:v0+s2+$0x0 ss:$0x1] =	vst.idx.msk $0xffff, v7  }
0x88: {  	v4 =	vld [tilespmem:s4+$0x60];
	[tilespmem:v0+s2+$0x10 ss:$0x1] =	vst.idx.msk $0xffff, v8  }
0x89: {  	[tilespmem:v0+s2+$0x20 ss:$0x1] =	vst.idx.msk $0xffff, v1  }
0x8a: {  	[tilespmem:v0+s2+$0x30 ss:$0x1] =	vst.idx.msk $0xffff, v2  }
0x8b: {  	p2 =	sgt.s32 s27, $0x100;
	[tilespmem:v0+s2+$0x40 ss:$0x1] =	vst.idx.msk $0xffff, v3  }
.Ltmp9:
0x8c: {  	[tilespmem:v0+s2+$0x50 ss:$0x1] =	vst.idx.msk $0xffff, v5;
	(pc) =	sbr.rel @!p2 .LBB1_8-.Ltmp9, $4  }
0x8d: {  	[tilespmem:v0+s2+$0x60 ss:$0x1] =	vst.idx.msk $0xffff, v4  }
0x8e: {  	[tilespmem:v0+s2+$0x70 ss:$0x1] =	vst.idx.msk $0xffff, v6  }
0x8f: {  	[tilespmem:v0+s8+$0x0 ss:$0x1] =	vst.idx.msk $0xffff, v7  }
0x90: {  	s31 =	smov.u32 s7;
	s2 =	simm.s32 $0x100;
	[tilespmem:v0+s8+$0x10 ss:$0x1] =	vst.idx.msk $0xffff, v8  }
.LBB1_7:
0x91: {  	v6 =	vld [tilespmem:s4+$0x70];
	s2 =	sadd.s32 $0x100, s2;
	[tilespmem:v0+s8+$0x20 ss:$0x1] =	vst.idx.msk $0xffff, v1  }
0x92: {  	v7 =	vld [tilespmem:s4+$0x0];
	p2 =	slt.s32 s2, s27;
	[tilespmem:v0+s8+$0x30 ss:$0x1] =	vst.idx.msk $0xffff, v2  }
0x93: {  	v8 =	vld [tilespmem:s4+$0x10];
	[tilespmem:v0+s8+$0x40 ss:$0x1] =	vst.idx.msk $0xffff, v3  }
0x94: {  	s31 =	sadd.s32 $0x800, s31;
	v1 =	vld [tilespmem:s4+$0x20];
	[tilespmem:v0+s8+$0x50 ss:$0x1] =	vst.idx.msk $0xffff, v5  }
0x95: {  	s6 =	sadd.s32 $0xFFFFFC00, s31;
	v2 =	vld [tilespmem:s4+$0x30];
	[tilespmem:v0+s8+$0x60 ss:$0x1] =	vst.idx.msk $0xffff, v4;
	s8 =	sand.u32 $0x3C00, s31  }
0x96: {  	s6 =	sand.u32 $0x3C00, s6;
	v3 =	vld [tilespmem:s4+$0x40];
	[tilespmem:v0+s8+$0x70 ss:$0x1] =	vst.idx.msk $0xffff, v6  }
0x97: {  	[tilespmem:v0+s6+$0x0 ss:$0x1] =	vst.idx.msk $0xffff, v7;
	v5 =	vld [tilespmem:s4+$0x50]  }
0x98: {  	[tilespmem:v0+s6+$0x10 ss:$0x1] =	vst.idx.msk $0xffff, v8;
	v4 =	vld [tilespmem:s4+$0x60]  }
0x99: {  	[tilespmem:v0+s6+$0x20 ss:$0x1] =	vst.idx.msk $0xffff, v1  }
0x9a: {  	[tilespmem:v0+s6+$0x30 ss:$0x1] =	vst.idx.msk $0xffff, v2  }
0x9b: {  	[tilespmem:v0+s6+$0x40 ss:$0x1] =	vst.idx.msk $0xffff, v3  }
.Ltmp10:
0x9c: {  	[tilespmem:v0+s6+$0x50 ss:$0x1] =	vst.idx.msk $0xffff, v5;
	(pc) =	sbr.rel @p2 .LBB1_7-.Ltmp10, $4  }
0x9d: {  	[tilespmem:v0+s6+$0x60 ss:$0x1] =	vst.idx.msk $0xffff, v4  }
0x9e: {  	[tilespmem:v0+s6+$0x70 ss:$0x1] =	vst.idx.msk $0xffff, v6  }
0x9f: {  	[tilespmem:v0+s8+$0x0 ss:$0x1] =	vst.idx.msk $0xffff, v7  }
0xa0: {  	[tilespmem:v0+s8+$0x10 ss:$0x1] =	vst.idx.msk $0xffff, v8  }
.LBB1_8:
0xa1: {  	_ =	sdelay $0x3  }
0xa2: {  	[tilespmem:v0+s8+$0x20 ss:$0x1] =	vst.idx.msk $0xffff, v1  }
0xa3: {  	[tilespmem:v0+s8+$0x30 ss:$0x1] =	vst.idx.msk $0xffff, v2  }
0xa4: {  	[tilespmem:v0+s8+$0x40 ss:$0x1] =	vst.idx.msk $0xffff, v3  }
0xa5: {  	[tilespmem:v0+s8+$0x50 ss:$0x1] =	vst.idx.msk $0xffff, v5  }
0xa6: {  	[tilespmem:v0+s8+$0x60 ss:$0x1] =	vst.idx.msk $0xffff, v4  }
.LBB1_9:
.Ltmp11:
0xa7: {  	(pc) =	sbr.rel @p1 .LBB1_12-.Ltmp11, $1  }
0xa8: {  	_ =	sdelay $0x3  }
0xa9: {  	s2 =	sand.u32 $0x7, s9  }
0xaa: {  	s2 =	sadd.s32 s30, s2  }
0xab: {  	s2 =	sshll.u32 s2, $0x9  }
0xac: {  	s2 =	sshra.s32 s2, $0x2  }
0xad: {  	s4 =	sadd.s32 s2, s23  }
0xae: {  	v0 =	vmov s4;
	_ =	sdelay $0x1  }
0xaf: {  	s31 =	sshra.s32 s5, $0x2  }
0xb0: {  	s5 =	smov.u32 s27;
	s2 =	sadd.s32 s31, s3;
	s4 =	smov.u32 s29  }
.LBB1_11:
0xb1: {  	s6 =	sand.u32 $0x70, s5;
	s5 =	sadd.s32 $0x10, s5  }
0xb2: {  	s8 =	sand.u32 $0x3C00, s4;
	v1 =	vld.idx.msk [tilespmem:v0+s6+$0x0 ss:$0x1], $0xffff;
	p2 =	slt.s32 s5, s26  }
.Ltmp12:
0xb3: {  	s8 =	sadd.s32 s1, s8;
	(pc) =	sbr.rel @p2 .LBB1_11-.Ltmp12, $4  }
0xb4: {  	s8 =	sand.u32 $0x3C00, s8  }
0xb5: {  	s8 =	sadd.s32 s8, s2  }
0xb6: {  	s6 =	sadd.s32 s6, s8  }
0xb7: {  	s4 =	sadd.s32 $0x80, s4;
	[tilespmem:s6+$0x0] =	vst v1  }
.Ltmp13:
0xb8: {  	_ = 	snop;
	(pc) =	sbr.rel .LBB1_12-.Ltmp13, $1  }
0xb9: {  	_ =	sdelay $0x3  }
.LBB1_16:
0xba: {  	_ =	sfence.sel $0x180000  }
0xbb: {  	s0 =	simm.s32 $0x1;
	[bflag:$0x0] =	sbarrier.arrive $0xFFFF  }
0xbc: {  	s30 =	simm.s32 $0x2;
	[sflag:s0] =	ssyncpa.u1 $0x1  }
0xbd: {  	[sflag:s30] =	ssyncpa.u1 $0x1  }
0xbe: {  	_ =	strace $0x9000005A  }
0xbf: {  	s31 =	stileid.u32;
	[bflag:$0x2] =	sbarrier.arrive $0xFFFF  }
0xc0: {  	p0 =	sne.s32 s31, $0x0;
	s0 =	rddreg [dreg:$0x2]  }
0xc1: {  	s0 =	sadd.s32 @!p0 $0x100000, s0  }
0xc2: {  	[sflag:s0] =	ssyncadd.tile.s32 @!p0 $0x1;
	_ =	shalt  }
.Lfunc_end1:
_tile_overlayer_lowered:
.L_overlay_start_2:
0xc3: {  	(tag) =	ssettag $0x2  }
0xc4: {  	s0 =	rddreg [dreg:$0x0];
	s2 =	stileid.u32  }
0xc5: {  	s1 =	rddreg [dreg:$0x1];
	p0 =	sne.s32 s2, $0x0  }
0xc6: {  	s3 =	rddreg [dreg:$0x2];
	[bflag:$0x3] =	sbarrier.arrive $0xFFFF;
	s2 =	simm.s32 @!p0 $0x1C01  }
0xc7: {  	[timem:s3], [sflag:s2] =	dma.local @!p0 [hbm:s0], s1  }
0xc8: {  	s0 =	simm.s32 @!p0 $0x1  }
0xc9: {  	_ =	swait.ge @!p0 [sflag:s0], s1  }
0xca: {  	s1 =	ssub.s32 @!p0 $0x0, s1;
	[sflag:s0] =	ssyncset.done @!p0 $0x0  }
0xcb: {  	[sflag:s0] =	ssyncadd.s32 @!p0 s1  }
0xcc: {  	[bflag:$0x3] =	sbarrier.arrive $0xFFFF  }
0xcd: {  	_ =	shalt  }

</sc_bundles>
